<compile_context>
chip_gen: v7x
topology: tpu7x:2x2x1
jax: 0.10.2.dev20260603
libtpu: 0.0.44.dev20260713+nightly
codegen_flags: <defaults>
</compile_context>

<pallas_src>
import jax
import jax.numpy as jnp
from jax import lax
from jax.experimental import pallas as pl
from jax.experimental.pallas import tpu as pltpu
from jax.experimental.pallas import tpu_sc as plsc

N = 10000
E = 160000
D = 256
G = 8
EPS = 1e-5

NP = 10240
R = 2048
NB = NP // R

NS = 16
EPT = E // NS
KC = 80
NCHUNK = EPT // KC
RPT = NP // NS

_F32 = jnp.float32


def _stats_body(x_ref, oh_ref, w_ref, b_ref, ms_ref, a_ref, be_ref,
                s1_ref, s2_ref, cnt_ref):
    i = pl.program_id(0)

    @pl.when(i == 0)
    def _():
        s1_ref[...] = jnp.zeros_like(s1_ref)
        s2_ref[...] = jnp.zeros_like(s2_ref)
        cnt_ref[...] = jnp.zeros_like(cnt_ref)

    oh = oh_ref[...]
    xb = x_ref[...]
    s1_ref[...] += jnp.dot(oh, xb, preferred_element_type=_F32)
    s2_ref[...] += jnp.dot(oh, xb * xb, preferred_element_type=_F32)
    cnt_ref[...] += jnp.broadcast_to(
        jnp.sum(oh, axis=1, keepdims=True), cnt_ref.shape)

    @pl.when(i == NB - 1)
    def _():
        cnt = cnt_ref[:, :1]
        rc = 1.0 / jnp.maximum(cnt, 1.0)
        mean = s1_ref[...] * rc
        m2 = s2_ref[...] * rc
        ms = ms_ref[...]
        var = m2 + mean * mean * ms * (ms - 2.0)
        alpha = w_ref[...] * lax.rsqrt(var + EPS)
        a_ref[...] = alpha
        be_ref[...] = b_ref[...] - mean * ms * alpha


def _stats(x, onehotT, w, b, ms):
    return pl.pallas_call(
        _stats_body,
        grid=(NB,),
        in_specs=[
            pl.BlockSpec((R, D), lambda i: (i, 0)),
            pl.BlockSpec((G, R), lambda i: (0, i)),
            pl.BlockSpec((1, D), lambda i: (0, 0)),
            pl.BlockSpec((1, D), lambda i: (0, 0)),
            pl.BlockSpec((1, D), lambda i: (0, 0)),
        ],
        out_specs=[
            pl.BlockSpec((G, D), lambda i: (0, 0)),
            pl.BlockSpec((G, D), lambda i: (0, 0)),
        ],
        out_shape=[
            jax.ShapeDtypeStruct((G, D), _F32),
            jax.ShapeDtypeStruct((G, D), _F32),
        ],
        scratch_shapes=[
            pltpu.VMEM((G, D), _F32),
            pltpu.VMEM((G, D), _F32),
            pltpu.VMEM((G, 128), _F32),
        ],
    )(x, onehotT, w, b, ms)


def _proj_body(x_ref, oh_ref, a_ref, be_ref, wl_ref, wr_ref, bl_ref,
               t0_ref, t1_ref, base_ref):
    oh = oh_ref[...]
    dn = (((0,), (0,)), ((), ()))
    arows = lax.dot_general(oh, a_ref[...], dn, preferred_element_type=_F32)
    brows = lax.dot_general(oh, be_ref[...], dn, preferred_element_type=_F32)
    h = x_ref[...] * arows + brows
    hl = jnp.dot(h, wl_ref[...], preferred_element_type=_F32)
    t0_ref[...] = hl[:, :128]
    t1_ref[...] = hl[:, 128:]
    base_ref[...] = jnp.dot(h, wr_ref[...],
                            preferred_element_type=_F32) + bl_ref[...]


def _proj(x, onehotT, alpha, beta, WlT, WrT, b_l):
    return pl.pallas_call(
        _proj_body,
        grid=(NB,),
        in_specs=[
            pl.BlockSpec((R, D), lambda i: (i, 0)),
            pl.BlockSpec((G, R), lambda i: (0, i)),
            pl.BlockSpec((G, D), lambda i: (0, 0)),
            pl.BlockSpec((G, D), lambda i: (0, 0)),
            pl.BlockSpec((D, D), lambda i: (0, 0)),
            pl.BlockSpec((D, D), lambda i: (0, 0)),
            pl.BlockSpec((1, D), lambda i: (0, 0)),
        ],
        out_specs=[
            pl.BlockSpec((R, 128), lambda i: (i, 0)),
            pl.BlockSpec((R, 128), lambda i: (i, 0)),
            pl.BlockSpec((R, D), lambda i: (i, 0)),
        ],
        out_shape=[
            jax.ShapeDtypeStruct((NP, 128), _F32),
            jax.ShapeDtypeStruct((NP, 128), _F32),
            jax.ShapeDtypeStruct((NP, D), _F32),
        ],
    )(x, onehotT, alpha, beta, WlT, WrT, b_l)


ZCH = RPT // KC


NSEG = 5
SEG = 25
ED2 = E // 2
EPT2 = ED2 // NS
KD = 40
ND2 = EPT2 // KD


def _sc_deg_body(dstd3, degf, dstdall_v, rows_a, ones_v, idx_v, acc,
                 sem_a, sem_b):
    cid = lax.axis_index("c")
    sid = lax.axis_index("s")
    rb = sid * RPT

    def _zrows(i, c):
        for j in range(8):
            rows_a[i, pl.ds(j * 16, 16)] = jnp.zeros((16,), _F32)
        return c

    def _ones(i, c):
        for j in range(8):
            ones_v[i, pl.ds(j * 16, 16)] = jnp.full((16,), 1.0, _F32)
        return c

    lax.fori_loop(0, KC, _zrows, 0)
    lax.fori_loop(0, KD, _ones, 0)

    def _idx(base):
        def _w(k, c2):
            idx_v[pl.ds(k * 16, 16)] = base + k * 16 + lax.iota(jnp.int32, 16)
            return c2

        lax.fori_loop(0, KC // 16, _w, 0)

    def _zchunk(j, c):
        _idx(rb + j * KC)
        pltpu.sync_copy(rows_a, acc.at[idx_v])
        return c

    lax.fori_loop(0, ZCH, _zchunk, 0)
    plsc.subcore_barrier()

    def _deg_seg(g, c):
        pltpu.sync_copy(dstd3.at[(cid * NS + sid) * NSEG + g], dstdall_v)
        pltpu.async_copy(ones_v, acc.at[dstdall_v.at[0]], sem_a, add=True)

        def _deg_chunk(i, c2):
            @pl.when(i % 2 == 0)
            def _():
                @pl.when(i + 1 < SEG)
                def _():
                    pltpu.async_copy(ones_v, acc.at[dstdall_v.at[i + 1]],
                                     sem_b, add=True)

                pltpu.make_async_copy(ones_v, acc.at[dstdall_v.at[i]],
                                      sem_a).wait()

            @pl.when(i % 2 == 1)
            def _():
                @pl.when(i + 1 < SEG)
                def _():
                    pltpu.async_copy(ones_v, acc.at[dstdall_v.at[i + 1]],
                                     sem_a, add=True)

                pltpu.make_async_copy(ones_v, acc.at[dstdall_v.at[i]],
                                      sem_b).wait()

            return c2

        lax.fori_loop(0, SEG, _deg_chunk, 0)
        return c

    lax.fori_loop(0, NSEG, _deg_seg, 0)
    plsc.subcore_barrier()

    def _wdeg(j, c):
        r = rb + j * KC
        _idx(r)
        pltpu.sync_copy(acc.at[idx_v], rows_a)

        @pl.when(cid == 0)
        def _():
            pltpu.sync_copy(rows_a, degf.at[0, pl.ds(r, KC)])

        @pl.when(cid == 1)
        def _():
            pltpu.sync_copy(rows_a, degf.at[1, pl.ds(r, KC)])

        return c

    lax.fori_loop(0, ZCH, _wdeg, 0)


_sc_deg = pl.kernel(
    _sc_deg_body,
    out_type=jax.ShapeDtypeStruct((2, NP, 128), _F32),
    mesh=plsc.VectorSubcoreMesh(core_axis_name="c", subcore_axis_name="s"),
    scratch_types=[
        pltpu.VMEM((SEG, KD), jnp.int32),
        pltpu.VMEM((KC, 128), _F32),
        pltpu.VMEM((KD, 128), _F32),
        pltpu.VMEM((KC,), jnp.int32),
        pltpu.VMEM_SHARED((NP, 128), _F32),
        pltpu.SemaphoreType.DMA,
        pltpu.SemaphoreType.DMA,
    ],
)


def _sc_agg_body(t0, t1, src3, dst3, agg0, agg1,
                 srcall_v, dstall_v, rows_a, rows_b,
                 idx_v, acc, sem_a, sem_b):
    cid = lax.axis_index("c")
    sid = lax.axis_index("s")
    rb = sid * RPT

    def _zrows(i, c):
        for j in range(8):
            rows_a[i, pl.ds(j * 16, 16)] = jnp.zeros((16,), _F32)
        return c

    lax.fori_loop(0, KC, _zrows, 0)

    def _idx(base):
        def _w(k, c2):
            idx_v[pl.ds(k * 16, 16)] = base + k * 16 + lax.iota(jnp.int32, 16)
            return c2

        lax.fori_loop(0, KC // 16, _w, 0)

    def _zchunk(j, c):
        _idx(rb + j * KC)
        pltpu.sync_copy(rows_a, acc.at[idx_v])
        return c

    lax.fori_loop(0, ZCH, _zchunk, 0)
    plsc.subcore_barrier()

    def _gfire(i, buf, sem):
        @pl.when(cid == 0)
        def _():
            pltpu.async_copy(t0.at[srcall_v.at[i]], buf, sem)

        @pl.when(cid == 1)
        def _():
            pltpu.async_copy(t1.at[srcall_v.at[i]], buf, sem)

    def _gwait(i, buf, sem):
        @pl.when(cid == 0)
        def _():
            pltpu.make_async_copy(t0.at[srcall_v.at[i]], buf, sem).wait()

        @pl.when(cid == 1)
        def _():
            pltpu.make_async_copy(t1.at[srcall_v.at[i]], buf, sem).wait()

    def _edge_seg(g, c):
        pltpu.sync_copy(src3.at[sid * NSEG + g], srcall_v)
        pltpu.sync_copy(dst3.at[sid * NSEG + g], dstall_v)
        _gfire(0, rows_a, sem_a)

        def _edge_chunk(i, c2):
            @pl.when(i % 2 == 0)
            def _():
                _gwait(i, rows_a, sem_a)

                @pl.when(i + 1 < SEG)
                def _():
                    _gfire(i + 1, rows_b, sem_b)

                pltpu.sync_copy(rows_a, acc.at[dstall_v.at[i]], add=True)

            @pl.when(i % 2 == 1)
            def _():
                _gwait(i, rows_b, sem_b)

                @pl.when(i + 1 < SEG)
                def _():
                    _gfire(i + 1, rows_a, sem_a)

                pltpu.sync_copy(rows_b, acc.at[dstall_v.at[i]], add=True)

            return c2

        lax.fori_loop(0, SEG, _edge_chunk, 0)
        return c

    lax.fori_loop(0, NSEG, _edge_seg, 0)
    plsc.subcore_barrier()

    def _wchunk(j, c):
        r = rb + j * KC
        _idx(r)
        pltpu.sync_copy(acc.at[idx_v], rows_a)

        @pl.when(cid == 0)
        def _():
            pltpu.sync_copy(rows_a, agg0.at[pl.ds(r, KC)])

        @pl.when(cid == 1)
        def _():
            pltpu.sync_copy(rows_a, agg1.at[pl.ds(r, KC)])

        return c

    lax.fori_loop(0, ZCH, _wchunk, 0)


_sc_agg = pl.kernel(
    _sc_agg_body,
    out_type=(
        jax.ShapeDtypeStruct((NP, 128), _F32),
        jax.ShapeDtypeStruct((NP, 128), _F32),
    ),
    mesh=plsc.VectorSubcoreMesh(core_axis_name="c", subcore_axis_name="s"),
    scratch_types=[
        pltpu.VMEM((SEG, KC), jnp.int32),
        pltpu.VMEM((SEG, KC), jnp.int32),
        pltpu.VMEM((KC, 128), _F32),
        pltpu.VMEM((KC, 128), _F32),
        pltpu.VMEM((KC,), jnp.int32),
        pltpu.VMEM_SHARED((NP, 128), _F32),
        pltpu.SemaphoreType.DMA,
        pltpu.SemaphoreType.DMA,
    ],
)


def _fuse_body(x_ref, a0_ref, a1_ref, dg_ref, base_ref, oh_ref,
               w_ref, b_ref, ms_ref, out_ref,
               s1_ref, s2_ref, cnt_ref, h2s_ref, aa_ref, bb_ref):
    p = pl.program_id(0)
    i = pl.program_id(1)

    @pl.when((p == 0) & (i == 0))
    def _():
        s1_ref[...] = jnp.zeros_like(s1_ref)
        s2_ref[...] = jnp.zeros_like(s2_ref)
        cnt_ref[...] = jnp.zeros_like(cnt_ref)

    @pl.when(p == 0)
    def _():
        deg = dg_ref[0, :, :1] + dg_ref[1, :, :1]
        rdeg = 1.0 / jnp.maximum(deg, 1.0)
        agg = jnp.concatenate([a0_ref[...], a1_ref[...]], axis=1) * rdeg
        h2 = jnp.maximum(x_ref[...] + agg + base_ref[...], 0.0)
        h2s_ref[pl.ds(i * R, R), :] = h2

        oh = oh_ref[...]
        s1_ref[...] += jnp.dot(oh, h2, preferred_element_type=_F32)
        s2_ref[...] += jnp.dot(oh, h2 * h2, preferred_element_type=_F32)
        cnt_ref[...] += jnp.broadcast_to(
            jnp.sum(oh, axis=1, keepdims=True), cnt_ref.shape)

        @pl.when(i == NB - 1)
        def _():
            cnt = cnt_ref[:, :1]
            rc = 1.0 / jnp.maximum(cnt, 1.0)
            mean = s1_ref[...] * rc
            m2 = s2_ref[...] * rc
            ms = ms_ref[...]
            var = m2 + mean * mean * ms * (ms - 2.0)
            alpha = w_ref[...] * lax.rsqrt(var + EPS)
            aa_ref[...] = alpha
            bb_ref[...] = b_ref[...] - mean * ms * alpha

    @pl.when(p == 1)
    def _():
        oh = oh_ref[...]
        dn = (((0,), (0,)), ((), ()))
        arows = lax.dot_general(oh, aa_ref[...], dn,
                                preferred_element_type=_F32)
        brows = lax.dot_general(oh, bb_ref[...], dn,
                                preferred_element_type=_F32)
        out_ref[...] = h2s_ref[pl.ds(i * R, R), :] * arows + brows


def _fuse(x, agg0, agg1, degf, base, onehotT, w, b, ms):
    return pl.pallas_call(
        _fuse_body,
        grid=(2, NB),
        in_specs=[
            pl.BlockSpec((R, D), lambda p, i: ((1 - p) * i, 0)),
            pl.BlockSpec((R, 128), lambda p, i: ((1 - p) * i, 0)),
            pl.BlockSpec((R, 128), lambda p, i: ((1 - p) * i, 0)),
            pl.BlockSpec((2, R, 128), lambda p, i: (0, (1 - p) * i, 0)),
            pl.BlockSpec((R, D), lambda p, i: ((1 - p) * i, 0)),
            pl.BlockSpec((G, R), lambda p, i: (0, i)),
            pl.BlockSpec((1, D), lambda p, i: (0, 0)),
            pl.BlockSpec((1, D), lambda p, i: (0, 0)),
            pl.BlockSpec((1, D), lambda p, i: (0, 0)),
        ],
        out_specs=pl.BlockSpec((R, D), lambda p, i: (i, 0)),
        out_shape=jax.ShapeDtypeStruct((NP, D), _F32),
        scratch_shapes=[
            pltpu.VMEM((G, D), _F32),
            pltpu.VMEM((G, D), _F32),
            pltpu.VMEM((G, 128), _F32),
            pltpu.VMEM((NP, D), _F32),
            pltpu.VMEM((G, D), _F32),
            pltpu.VMEM((G, D), _F32),
        ],
    )(x, agg0, agg1, degf, base, onehotT, w, b, ms)


def kernel(x, edge_index, batch, W_l, b_l, W_r,
           weight1, bias1, mean_scale1, weight2, bias2, mean_scale2):
    onehotT = (batch[None, :] == jnp.arange(G, dtype=batch.dtype)[:, None]
               ).astype(_F32)
    onehotT = jnp.pad(onehotT, ((0, 0), (0, NP - N)))
    xp = jnp.pad(x, ((0, NP - N), (0, 0)))
    w1 = weight1[None, :]
    b1 = bias1[None, :]
    ms1 = mean_scale1[None, :]
    w2 = weight2[None, :]
    b2 = bias2[None, :]
    ms2 = mean_scale2[None, :]
    blr = b_l[None, :]
    WlT = W_l.T
    WrT = W_r.T

    degf = _sc_deg(edge_index[1].reshape(2 * NS * NSEG, SEG, KD))
    alpha1, beta1 = _stats(xp, onehotT, w1, b1, ms1)
    t0, t1, base = _proj(xp, onehotT, alpha1, beta1, WlT, WrT, blr)
    src3 = edge_index[0].reshape(NS * NSEG, SEG, KC)
    dst3 = edge_index[1].reshape(NS * NSEG, SEG, KC)
    agg0, agg1 = _sc_agg(t0, t1, src3, dst3)
    return _fuse(xp, agg0, agg1, degf, base, onehotT, w2, b2, ms2)[:N]

# --- scband reference (transcript-rebuilt; emitter-appended) ---
"""Pipeline reference for scband-vision-model-5299989643693 (READ-ONLY COPY).

The authoritative reference and input builder live on the scoring server;
editing this copy changes nothing except your own understanding.
"""

import jax, jax.numpy as jnp
import numpy as np

N = 10000
E = 160000
D = 256
G = 8
EPS = 1e-5


def setup_inputs(seed: int = 0) -> dict:
    key = jax.random.key(seed)
    ks = jax.random.split(key, 8)
    x = jax.random.normal(ks[0], (N, D), dtype=jnp.float32)
    edge_index = jax.random.randint(ks[1], (2, E), 0, N, dtype=jnp.int32)
    batch = jnp.sort(jax.random.randint(ks[2], (N,), 0, G, dtype=jnp.int32))
    # SAGEConv params: lin_l (applied to aggregated neighbors, has bias), lin_r (root, no bias)
    W_l = jax.random.normal(ks[3], (D, D), dtype=jnp.float32) / jnp.sqrt(D)
    b_l = jnp.zeros((D,), dtype=jnp.float32)
    W_r = jax.random.normal(ks[4], (D, D), dtype=jnp.float32) / jnp.sqrt(D)
    # GraphNorm params (PyG init: weight=1, bias=0, mean_scale=1)
    weight1 = jnp.ones((D,), dtype=jnp.float32)
    bias1 = jnp.zeros((D,), dtype=jnp.float32)
    mean_scale1 = jnp.ones((D,), dtype=jnp.float32)
    weight2 = jnp.ones((D,), dtype=jnp.float32)
    bias2 = jnp.zeros((D,), dtype=jnp.float32)
    mean_scale2 = jnp.ones((D,), dtype=jnp.float32)
    return {"x": x, "edge_index": edge_index, "batch": batch,
            "W_l": W_l, "b_l": b_l, "W_r": W_r,
            "weight1": weight1, "bias1": bias1, "mean_scale1": mean_scale1,
            "weight2": weight2, "bias2": bias2, "mean_scale2": mean_scale2}


def _graph_norm(h, batch, w, b, ms):
    cnt = jax.ops.segment_sum(jnp.ones((N,), jnp.float32), batch, num_segments=G)
    cnt = jnp.clip(cnt, 1.0, None)
    mean = jax.ops.segment_sum(h, batch, num_segments=G) / cnt[:, None]
    out = h - mean[batch] * ms
    var = jax.ops.segment_sum(out * out, batch, num_segments=G) / cnt[:, None]
    std = jnp.sqrt(var + EPS)
    return w * out / std[batch] + b


def _sage_conv_mean(h, edge_index, W_l, b_l, W_r):
    src = edge_index[0]
    dst = edge_index[1]
    msg = h[src]
    agg_sum = jax.ops.segment_sum(msg, dst, num_segments=N)
    deg = jax.ops.segment_sum(jnp.ones((E,), jnp.float32), dst, num_segments=N)
    agg = agg_sum / jnp.clip(deg, 1.0, None)[:, None]
    return agg @ W_l.T + b_l + h @ W_r.T


def reference(x, edge_index, batch, W_l, b_l, W_r, weight1, bias1, mean_scale1, weight2, bias2, mean_scale2):
    h = _graph_norm(x, batch, weight1, bias1, mean_scale1)
    h = _sage_conv_mean(h, edge_index, W_l, b_l, W_r)
    h = x + h
    h = jax.nn.relu(h)
    # dropout is identity in eval/reference mode
    h = _graph_norm(h, batch, weight2, bias2, mean_scale2)
    return h

if __name__ == "__main__":
    import jax
    _d = setup_inputs()
    print(jax.jit(kernel)(*tuple(_d.values())))

</pallas_src>

<mosaic_0001>
#map = affine_map<(d0, d1) -> (0, 0)>
#map1 = affine_map<(d0, d1) -> (0, 0, 0)>
module attributes {stable_mosaic.version = 14 : i64} {
  func.func @_sc_agg_body(%arg0: i32, %arg1: i32, %arg2: memref<10240x128xf32, #tpu.memory_space<hbm>>, %arg3: memref<10240x128xf32, #tpu.memory_space<hbm>>, %arg4: memref<80x25x80xi32, #tpu.memory_space<hbm>>, %arg5: memref<80x25x80xi32, #tpu.memory_space<hbm>>, %arg6: memref<10240x128xf32, #tpu.memory_space<hbm>>, %arg7: memref<10240x128xf32, #tpu.memory_space<hbm>>, %arg8: memref<25x80xi32, #tpu.memory_space<vmem>>, %arg9: memref<25x80xi32, #tpu.memory_space<vmem>>, %arg10: memref<80x128xf32, #tpu.memory_space<vmem>>, %arg11: memref<80x128xf32, #tpu.memory_space<vmem>>, %arg12: memref<80xi32, #tpu.memory_space<vmem>>, %arg13: memref<10240x128xf32, #tpu.memory_space<vmem_shared>>, %arg14: memref<!tpu.dma_semaphore, #tpu.memory_space<semaphore_mem>>, %arg15: memref<!tpu.dma_semaphore, #tpu.memory_space<semaphore_mem>>) attributes {dimension_semantics = [#tpu.dimension_semantics<core_parallel>, #tpu.dimension_semantics<subcore_parallel>], iteration_bounds = array<i64: 2, 16>, scalar_prefetch = 0 : i64, scratch_operands = 8 : i64, tpu.core_type = #tpu.core_type<sc_vector_subcore>, window_params = [{transform_indices = #map}, {transform_indices = #map}, {transform_indices = #map1}, {transform_indices = #map1}, {transform_indices = #map}, {transform_indices = #map}]} {
    %mul3A = arith.constant 640 : i32
    %mul3A_0 = arith.muli %arg1, %mul3A : i32
    %scan3A = arith.constant 0 : i32
    %scan3A_1 = arith.constant 0 : i32
    %scan3A_2 = arith.constant 80 : i32
    %scan3A_3 = arith.addi %scan3A_1, %scan3A_2 : i32
    %scan3A_4 = arith.constant 1 : i32
    scf.for %scan3A_25 = %scan3A_1 to %scan3A_3 step %scan3A_4  : i32 {
      %broadcast_in_dim3A = arith.constant 0.000000e+00 : f32
      %broadcast_in_dim3A_26 = vector.broadcast %broadcast_in_dim3A : f32 to vector<16xf32>
      %swap3A = arith.index_cast %scan3A_25 : i32 to index
      %swap3A_27 = arith.constant 0 : index
      %swap3A_28 = tpu.vector_load %arg10[%swap3A, %swap3A_27] {strides = array<i32>} : memref<80x128xf32, #tpu.memory_space<vmem>>, vector<1x16xf32>,
      %swap3A_29 = vector.shape_cast %swap3A_28 : vector<1x16xf32> to vector<16xf32>
      %swap3A_30 = vector.shape_cast %broadcast_in_dim3A_26 : vector<16xf32> to vector<1x16xf32>
      tpu.vector_store %arg10[%swap3A, %swap3A_27], %swap3A_30 {strides = array<i32>} : memref<80x128xf32, #tpu.memory_space<vmem>>, vector<1x16xf32>,
      %broadcast_in_dim3A_31 = arith.constant 0.000000e+00 : f32
      %broadcast_in_dim3A_32 = vector.broadcast %broadcast_in_dim3A_31 : f32 to vector<16xf32>
      %swap3A_33 = arith.index_cast %scan3A_25 : i32 to index
      %swap3A_34 = arith.constant 16 : index
      %swap3A_35 = tpu.vector_load %arg10[%swap3A_33, %swap3A_34] {strides = array<i32>} : memref<80x128xf32, #tpu.memory_space<vmem>>, vector<1x16xf32>,
      %swap3A_36 = vector.shape_cast %swap3A_35 : vector<1x16xf32> to vector<16xf32>
      %swap3A_37 = vector.shape_cast %broadcast_in_dim3A_32 : vector<16xf32> to vector<1x16xf32>
      tpu.vector_store %arg10[%swap3A_33, %swap3A_34], %swap3A_37 {strides = array<i32>} : memref<80x128xf32, #tpu.memory_space<vmem>>, vector<1x16xf32>,
      %broadcast_in_dim3A_38 = arith.constant 0.000000e+00 : f32
      %broadcast_in_dim3A_39 = vector.broadcast %broadcast_in_dim3A_38 : f32 to vector<16xf32>
      %swap3A_40 = arith.index_cast %scan3A_25 : i32 to index
      %swap3A_41 = arith.constant 32 : index
      %swap3A_42 = tpu.vector_load %arg10[%swap3A_40, %swap3A_41] {strides = array<i32>} : memref<80x128xf32, #tpu.memory_space<vmem>>, vector<1x16xf32>,
      %swap3A_43 = vector.shape_cast %swap3A_42 : vector<1x16xf32> to vector<16xf32>
      %swap3A_44 = vector.shape_cast %broadcast_in_dim3A_39 : vector<16xf32> to vector<1x16xf32>
      tpu.vector_store %arg10[%swap3A_40, %swap3A_41], %swap3A_44 {strides = array<i32>} : memref<80x128xf32, #tpu.memory_space<vmem>>, vector<1x16xf32>,
      %broadcast_in_dim3A_45 = arith.constant 0.000000e+00 : f32
      %broadcast_in_dim3A_46 = vector.broadcast %broadcast_in_dim3A_45 : f32 to vector<16xf32>
      %swap3A_47 = arith.index_cast %scan3A_25 : i32 to index
      %swap3A_48 = arith.constant 48 : index
      %swap3A_49 = tpu.vector_load %arg10[%swap3A_47, %swap3A_48] {strides = array<i32>} : memref<80x128xf32, #tpu.memory_space<vmem>>, vector<1x16xf32>,
      %swap3A_50 = vector.shape_cast %swap3A_49 : vector<1x16xf32> to vector<16xf32>
      %swap3A_51 = vector.shape_cast %broadcast_in_dim3A_46 : vector<16xf32> to vector<1x16xf32>
      tpu.vector_store %arg10[%swap3A_47, %swap3A_48], %swap3A_51 {strides = array<i32>} : memref<80x128xf32, #tpu.memory_space<vmem>>, vector<1x16xf32>,
      %broadcast_in_dim3A_52 = arith.constant 0.000000e+00 : f32
      %broadcast_in_dim3A_53 = vector.broadcast %broadcast_in_dim3A_52 : f32 to vector<16xf32>
      %swap3A_54 = arith.index_cast %scan3A_25 : i32 to index
      %swap3A_55 = arith.constant 64 : index
      %swap3A_56 = tpu.vector_load %arg10[%swap3A_54, %swap3A_55] {strides = array<i32>} : memref<80x128xf32, #tpu.memory_space<vmem>>, vector<1x16xf32>,
      %swap3A_57 = vector.shape_cast %swap3A_56 : vector<1x16xf32> to vector<16xf32>
      %swap3A_58 = vector.shape_cast %broadcast_in_dim3A_53 : vector<16xf32> to vector<1x16xf32>
      tpu.vector_store %arg10[%swap3A_54, %swap3A_55], %swap3A_58 {strides = array<i32>} : memref<80x128xf32, #tpu.memory_space<vmem>>, vector<1x16xf32>,
      %broadcast_in_dim3A_59 = arith.constant 0.000000e+00 : f32
      %broadcast_in_dim3A_60 = vector.broadcast %broadcast_in_dim3A_59 : f32 to vector<16xf32>
      %swap3A_61 = arith.index_cast %scan3A_25 : i32 to index
      %swap3A_62 = arith.constant 80 : index
      %swap3A_63 = tpu.vector_load %arg10[%swap3A_61, %swap3A_62] {strides = array<i32>} : memref<80x128xf32, #tpu.memory_space<vmem>>, vector<1x16xf32>,
      %swap3A_64 = vector.shape_cast %swap3A_63 : vector<1x16xf32> to vector<16xf32>
      %swap3A_65 = vector.shape_cast %broadcast_in_dim3A_60 : vector<16xf32> to vector<1x16xf32>
      tpu.vector_store %arg10[%swap3A_61, %swap3A_62], %swap3A_65 {strides = array<i32>} : memref<80x128xf32, #tpu.memory_space<vmem>>, vector<1x16xf32>,
      %broadcast_in_dim3A_66 = arith.constant 0.000000e+00 : f32
      %broadcast_in_dim3A_67 = vector.broadcast %broadcast_in_dim3A_66 : f32 to vector<16xf32>
      %swap3A_68 = arith.index_cast %scan3A_25 : i32 to index
      %swap3A_69 = arith.constant 96 : index
      %swap3A_70 = tpu.vector_load %arg10[%swap3A_68, %swap3A_69] {strides = array<i32>} : memref<80x128xf32, #tpu.memory_space<vmem>>, vector<1x16xf32>,
      %swap3A_71 = vector.shape_cast %swap3A_70 : vector<1x16xf32> to vector<16xf32>
      %swap3A_72 = vector.shape_cast %broadcast_in_dim3A_67 : vector<16xf32> to vector<1x16xf32>
      tpu.vector_store %arg10[%swap3A_68, %swap3A_69], %swap3A_72 {strides = array<i32>} : memref<80x128xf32, #tpu.memory_space<vmem>>, vector<1x16xf32>,
      %broadcast_in_dim3A_73 = arith.constant 0.000000e+00 : f32
      %broadcast_in_dim3A_74 = vector.broadcast %broadcast_in_dim3A_73 : f32 to vector<16xf32>
      %swap3A_75 = arith.index_cast %scan3A_25 : i32 to index
      %swap3A_76 = arith.constant 112 : index
      %swap3A_77 = tpu.vector_load %arg10[%swap3A_75, %swap3A_76] {strides = array<i32>} : memref<80x128xf32, #tpu.memory_space<vmem>>, vector<1x16xf32>,
      %swap3A_78 = vector.shape_cast %swap3A_77 : vector<1x16xf32> to vector<16xf32>
      %swap3A_79 = vector.shape_cast %broadcast_in_dim3A_74 : vector<16xf32> to vector<1x16xf32>
      tpu.vector_store %arg10[%swap3A_75, %swap3A_76], %swap3A_79 {strides = array<i32>} : memref<80x128xf32, #tpu.memory_space<vmem>>, vector<1x16xf32>,
    }
    %scan3A_5 = arith.constant 80 : i32
    %scan3A_6 = arith.constant 0 : i32
    %scan3A_7 = arith.constant 0 : i32
    %scan3A_8 = arith.constant 8 : i32
    %scan3A_9 = arith.addi %scan3A_7, %scan3A_8 : i32
    %scan3A_10 = arith.constant 1 : i32
    scf.for %scan3A_25 = %scan3A_7 to %scan3A_9 step %scan3A_10  : i32 {
      %mul3A_26 = arith.constant 80 : i32
      %mul3A_27 = arith.muli %scan3A_25, %mul3A_26 : i32
      %add3A = arith.addi %mul3A_0, %mul3A_27 : i32
      %scan3A_28 = arith.constant 0 : i32
      %scan3A_29 = arith.constant 0 : i32
      %scan3A_30 = arith.constant 5 : i32
      %scan3A_31 = arith.addi %scan3A_29, %scan3A_30 : i32
      %scan3A_32 = arith.constant 1 : i32
      scf.for %scan3A_34 = %scan3A_29 to %scan3A_31 step %scan3A_32  : i32 {
        %mul3A_35 = arith.constant 16 : i32
        %mul3A_36 = arith.muli %scan3A_34, %mul3A_35 : i32
        %add3A_37 = arith.addi %add3A, %mul3A_36 : i32
        %iota3A = tpu.iota {dimensions = array<i32: 0>} : vector<16xi32>
        %add3A_38 = vector.broadcast %add3A_37 : i32 to vector<16xi32>
        %add3A_39 = arith.addi %add3A_38, %iota3A : vector<16xi32>
        %mul3A_40 = arith.constant 16 : i32
        %mul3A_41 = arith.muli %scan3A_34, %mul3A_40 : i32
        %swap3A = arith.index_cast %mul3A_41 : i32 to index
        %swap3A_42 = tpu.vector_load %arg12[%swap3A] {strides = array<i32>} : memref<80xi32, #tpu.memory_space<vmem>>, vector<16xi32>,
        %swap3A_43 = vector.shape_cast %swap3A_42 : vector<16xi32> to vector<16xi32>
        %swap3A_44 = vector.shape_cast %add3A_39 : vector<16xi32> to vector<16xi32>
        tpu.vector_store %arg12[%swap3A], %swap3A_44 {strides = array<i32>} : memref<80xi32, #tpu.memory_space<vmem>>, vector<16xi32>,
      }
      %scan3A_33 = arith.constant 5 : i32
      "tpu.region"() ({
        %run_scoped3A = tpu.sem_alloc : memref<!tpu.dma_semaphore, #tpu.memory_space<semaphore_mem>>
        %dma_start3A = arith.constant 0 : i32
        %dma_start3A_34 = arith.constant 0 : i32
        %dma_start3A_35 = tpu.memref_slice %arg13[%dma_start3A, %dma_start3A_34] : memref<10240x128xf32, #tpu.memory_space<vmem_shared>> -> memref<10240x128xf32, #tpu.memory_space<vmem_shared>>
        tpu.enqueue_indirect_dma source(%arg10 : memref<80x128xf32, #tpu.memory_space<vmem>>) target(%dma_start3A_35 : memref<10240x128xf32, #tpu.memory_space<vmem_shared>>) offsets(%arg12 : memref<80xi32, #tpu.memory_space<vmem>>) semaphore(%run_scoped3A : memref<!tpu.dma_semaphore, #tpu.memory_space<semaphore_mem>>)
        %dma_wait3A = arith.constant 0 : i32
        %dma_wait3A_36 = arith.constant 0 : i32
        %dma_wait3A_37 = tpu.memref_slice %arg13[%dma_wait3A, %dma_wait3A_36] : memref<10240x128xf32, #tpu.memory_space<vmem_shared>> -> memref<10240x128xf32, #tpu.memory_space<vmem_shared>>
        tpu.wait_indirect_dma semaphore(%run_scoped3A : memref<!tpu.dma_semaphore, #tpu.memory_space<semaphore_mem>>) src(%arg10 : memref<80x128xf32, #tpu.memory_space<vmem>>) dst(%dma_wait3A_37 : memref<10240x128xf32, #tpu.memory_space<vmem_shared>>)
        tpu.yield
      }) : () -> ()
    }
    %scan3A_11 = arith.constant 8 : i32
    %barrier3A = arith.constant 0 : index
    tpu.barrier barrier_id(%barrier3A)
    %scan3A_12 = arith.constant 0 : i32
    %scan3A_13 = arith.constant 0 : i32
    %scan3A_14 = arith.constant 5 : i32
    %scan3A_15 = arith.addi %scan3A_13, %scan3A_14 : i32
    %scan3A_16 = arith.constant 1 : i32
    scf.for %scan3A_25 = %scan3A_13 to %scan3A_15 step %scan3A_16  : i32 {
      %mul3A_26 = arith.constant 5 : i32
      %mul3A_27 = arith.muli %arg1, %mul3A_26 : i32
      %add3A = arith.addi %mul3A_27, %scan3A_25 : i32
      "tpu.region"() ({
        %run_scoped3A = tpu.sem_alloc : memref<!tpu.dma_semaphore, #tpu.memory_space<semaphore_mem>>
        %dma_start3A = arith.constant 0 : i32
        %dma_start3A_44 = arith.constant 0 : i32
        %dma_start3A_45 = tpu.memref_slice %arg4[%add3A, %dma_start3A, %dma_start3A_44] : memref<80x25x80xi32, #tpu.memory_space<hbm>> -> memref<1x25x80xi32, #tpu.memory_space<hbm>>
        %dma_start3A_46 = tpu.memref_squeeze %dma_start3A_45 : memref<1x25x80xi32, #tpu.memory_space<hbm>> -> memref<25x80xi32, #tpu.memory_space<hbm>>
        %dma_start3A_47 = arith.constant 0 : i32
        %dma_start3A_48 = arith.constant 0 : i32
        %dma_start3A_49 = tpu.memref_slice %arg4[%add3A, %dma_start3A_47, %dma_start3A_48] : memref<80x25x80xi32, #tpu.memory_space<hbm>> -> memref<1x25x80xi32, #tpu.memory_space<hbm>>
        %dma_start3A_50 = tpu.memref_squeeze %dma_start3A_49 : memref<1x25x80xi32, #tpu.memory_space<hbm>> -> memref<25x80xi32, #tpu.memory_space<hbm>>
        tpu.enqueue_dma source(%dma_start3A_50 : memref<25x80xi32, #tpu.memory_space<hbm>>) target(%arg8 : memref<25x80xi32, #tpu.memory_space<vmem>>) target_semaphore(%run_scoped3A : memref<!tpu.dma_semaphore, #tpu.memory_space<semaphore_mem>>)
        %dma_wait3A = arith.constant 0 : i32
        %dma_wait3A_51 = arith.constant 0 : i32
        %dma_wait3A_52 = tpu.memref_slice %arg4[%add3A, %dma_wait3A, %dma_wait3A_51] : memref<80x25x80xi32, #tpu.memory_space<hbm>> -> memref<1x25x80xi32, #tpu.memory_space<hbm>>
        %dma_wait3A_53 = tpu.memref_squeeze %dma_wait3A_52 : memref<1x25x80xi32, #tpu.memory_space<hbm>> -> memref<25x80xi32, #tpu.memory_space<hbm>>
        %dma_wait3A_54 = arith.constant 0 : i32
        %dma_wait3A_55 = arith.constant 0 : i32
        %dma_wait3A_56 = tpu.memref_slice %arg4[%add3A, %dma_wait3A_54, %dma_wait3A_55] : memref<80x25x80xi32, #tpu.memory_space<hbm>> -> memref<1x25x80xi32, #tpu.memory_space<hbm>>
        %dma_wait3A_57 = tpu.memref_squeeze %dma_wait3A_56 : memref<1x25x80xi32, #tpu.memory_space<hbm>> -> memref<25x80xi32, #tpu.memory_space<hbm>>
        tpu.wait_dma2 semaphore(%run_scoped3A : memref<!tpu.dma_semaphore, #tpu.memory_space<semaphore_mem>>) src(%dma_wait3A_57 : memref<25x80xi32, #tpu.memory_space<hbm>>) dst(%arg8 : memref<25x80xi32, #tpu.memory_space<vmem>>)
        tpu.yield
      }) : () -> ()
      %mul3A_28 = arith.constant 5 : i32
      %mul3A_29 = arith.muli %arg1, %mul3A_28 : i32
      %add3A_30 = arith.addi %mul3A_29, %scan3A_25 : i32
      "tpu.region"() ({
        %run_scoped3A = tpu.sem_alloc : memref<!tpu.dma_semaphore, #tpu.memory_space<semaphore_mem>>
        %dma_start3A = arith.constant 0 : i32
        %dma_start3A_44 = arith.constant 0 : i32
        %dma_start3A_45 = tpu.memref_slice %arg5[%add3A_30, %dma_start3A, %dma_start3A_44] : memref<80x25x80xi32, #tpu.memory_space<hbm>> -> memref<1x25x80xi32, #tpu.memory_space<hbm>>
        %dma_start3A_46 = tpu.memref_squeeze %dma_start3A_45 : memref<1x25x80xi32, #tpu.memory_space<hbm>> -> memref<25x80xi32, #tpu.memory_space<hbm>>
        %dma_start3A_47 = arith.constant 0 : i32
        %dma_start3A_48 = arith.constant 0 : i32
        %dma_start3A_49 = tpu.memref_slice %arg5[%add3A_30, %dma_start3A_47, %dma_start3A_48] : memref<80x25x80xi32, #tpu.memory_space<hbm>> -> memref<1x25x80xi32, #tpu.memory_space<hbm>>
        %dma_start3A_50 = tpu.memref_squeeze %dma_start3A_49 : memref<1x25x80xi32, #tpu.memory_space<hbm>> -> memref<25x80xi32, #tpu.memory_space<hbm>>
        tpu.enqueue_dma source(%dma_start3A_50 : memref<25x80xi32, #tpu.memory_space<hbm>>) target(%arg9 : memref<25x80xi32, #tpu.memory_space<vmem>>) target_semaphore(%run_scoped3A : memref<!tpu.dma_semaphore, #tpu.memory_space<semaphore_mem>>)
        %dma_wait3A = arith.constant 0 : i32
        %dma_wait3A_51 = arith.constant 0 : i32
        %dma_wait3A_52 = tpu.memref_slice %arg5[%add3A_30, %dma_wait3A, %dma_wait3A_51] : memref<80x25x80xi32, #tpu.memory_space<hbm>> -> memref<1x25x80xi32, #tpu.memory_space<hbm>>
        %dma_wait3A_53 = tpu.memref_squeeze %dma_wait3A_52 : memref<1x25x80xi32, #tpu.memory_space<hbm>> -> memref<25x80xi32, #tpu.memory_space<hbm>>
        %dma_wait3A_54 = arith.constant 0 : i32
        %dma_wait3A_55 = arith.constant 0 : i32
        %dma_wait3A_56 = tpu.memref_slice %arg5[%add3A_30, %dma_wait3A_54, %dma_wait3A_55] : memref<80x25x80xi32, #tpu.memory_space<hbm>> -> memref<1x25x80xi32, #tpu.memory_space<hbm>>
        %dma_wait3A_57 = tpu.memref_squeeze %dma_wait3A_56 : memref<1x25x80xi32, #tpu.memory_space<hbm>> -> memref<25x80xi32, #tpu.memory_space<hbm>>
        tpu.wait_dma2 semaphore(%run_scoped3A : memref<!tpu.dma_semaphore, #tpu.memory_space<semaphore_mem>>) src(%dma_wait3A_57 : memref<25x80xi32, #tpu.memory_space<hbm>>) dst(%arg9 : memref<25x80xi32, #tpu.memory_space<vmem>>)
        tpu.yield
      }) : () -> ()
      %eq3A = arith.constant 0 : i32
      %eq3A_31 = arith.cmpi eq, %arg0, %eq3A : i32
      %convert_element_type3A = arith.extui %eq3A_31 : i1 to i32
      %cond3A = arith.constant 0 : i32
      %cond3A_32 = arith.cmpi ne, %convert_element_type3A, %cond3A : i32
      scf.if %cond3A_32 {
        %dma_start3A = arith.constant 0 : i32
        %dma_start3A_44 = arith.constant 0 : i32
        %dma_start3A_45 = tpu.memref_slice %arg8[%dma_start3A, %dma_start3A_44] : memref<25x80xi32, #tpu.memory_space<vmem>> -> memref<1x80xi32, #tpu.memory_space<vmem>>
        %dma_start3A_46 = tpu.memref_squeeze %dma_start3A_45 : memref<1x80xi32, #tpu.memory_space<vmem>> -> memref<80xi32, #tpu.memory_space<vmem>>
        %dma_start3A_47 = arith.constant 0 : i32
        %dma_start3A_48 = arith.constant 0 : i32
        %dma_start3A_49 = tpu.memref_slice %arg2[%dma_start3A_47, %dma_start3A_48] : memref<10240x128xf32, #tpu.memory_space<hbm>> -> memref<10240x128xf32, #tpu.memory_space<hbm>>
        tpu.enqueue_indirect_dma source(%dma_start3A_49 : memref<10240x128xf32, #tpu.memory_space<hbm>>) target(%arg10 : memref<80x128xf32, #tpu.memory_space<vmem>>) offsets(%dma_start3A_46 : memref<80xi32, #tpu.memory_space<vmem>>) semaphore(%arg14 : memref<!tpu.dma_semaphore, #tpu.memory_space<semaphore_mem>>)
      } else {
      }
      %eq3A_33 = arith.constant 1 : i32
      %eq3A_34 = arith.cmpi eq, %arg0, %eq3A_33 : i32
      %convert_element_type3A_35 = arith.extui %eq3A_34 : i1 to i32
      %cond3A_36 = arith.constant 0 : i32
      %cond3A_37 = arith.cmpi ne, %convert_element_type3A_35, %cond3A_36 : i32
      scf.if %cond3A_37 {
        %dma_start3A = arith.constant 0 : i32
        %dma_start3A_44 = arith.constant 0 : i32
        %dma_start3A_45 = tpu.memref_slice %arg8[%dma_start3A, %dma_start3A_44] : memref<25x80xi32, #tpu.memory_space<vmem>> -> memref<1x80xi32, #tpu.memory_space<vmem>>
        %dma_start3A_46 = tpu.memref_squeeze %dma_start3A_45 : memref<1x80xi32, #tpu.memory_space<vmem>> -> memref<80xi32, #tpu.memory_space<vmem>>
        %dma_start3A_47 = arith.constant 0 : i32
        %dma_start3A_48 = arith.constant 0 : i32
        %dma_start3A_49 = tpu.memref_slice %arg3[%dma_start3A_47, %dma_start3A_48] : memref<10240x128xf32, #tpu.memory_space<hbm>> -> memref<10240x128xf32, #tpu.memory_space<hbm>>
        tpu.enqueue_indirect_dma source(%dma_start3A_49 : memref<10240x128xf32, #tpu.memory_space<hbm>>) target(%arg10 : memref<80x128xf32, #tpu.memory_space<vmem>>) offsets(%dma_start3A_46 : memref<80xi32, #tpu.memory_space<vmem>>) semaphore(%arg14 : memref<!tpu.dma_semaphore, #tpu.memory_space<semaphore_mem>>)
      } else {
      }
      %scan3A_38 = arith.constant 0 : i32
      %scan3A_39 = arith.constant 0 : i32
      %scan3A_40 = arith.constant 25 : i32
      %scan3A_41 = arith.addi %scan3A_39, %scan3A_40 : i32
      %scan3A_42 = arith.constant 1 : i32
      scf.for %scan3A_44 = %scan3A_39 to %scan3A_41 step %scan3A_42  : i32 {
        %jit3A = arith.constant 2 : i32
        %eq3A_45 = arith.constant 0 : i32
        %eq3A_46 = arith.cmpi eq, %jit3A, %eq3A_45 : i32
        %jit3A_47 = arith.constant 1 : i32
        %select_n3A = arith.select %eq3A_46, %jit3A_47, %jit3A : i32
        %rem3A = arith.remsi %scan3A_44, %select_n3A : i32
        %ne3A = arith.constant 0 : i32
        %ne3A_48 = arith.cmpi ne, %rem3A, %ne3A : i32
        %lt3A = arith.constant 0 : i32
        %lt3A_49 = arith.cmpi slt, %rem3A, %lt3A : i32
        %lt3A_50 = arith.constant 0 : i32
        %lt3A_51 = arith.cmpi slt, %select_n3A, %lt3A_50 : i32
        %ne3A_52 = arith.xori %lt3A_49, %lt3A_51 : i1
        %and3A = arith.andi %ne3A_52, %ne3A_48 : i1
        %add3A_53 = arith.addi %rem3A, %select_n3A : i32
        %select_n3A_54 = arith.select %and3A, %add3A_53, %rem3A : i32
        %eq3A_55 = arith.constant 0 : i32
        %eq3A_56 = arith.cmpi eq, %select_n3A_54, %eq3A_55 : i32
        %convert_element_type3A_57 = arith.extui %eq3A_56 : i1 to i32
        %cond3A_58 = arith.constant 0 : i32
        %cond3A_59 = arith.cmpi ne, %convert_element_type3A_57, %cond3A_58 : i32
        scf.if %cond3A_59 {
          %eq3A_81 = arith.constant 0 : i32
          %eq3A_82 = arith.cmpi eq, %arg0, %eq3A_81 : i32
          %convert_element_type3A_83 = arith.extui %eq3A_82 : i1 to i32
          %cond3A_84 = arith.constant 0 : i32
          %cond3A_85 = arith.cmpi ne, %convert_element_type3A_83, %cond3A_84 : i32
          scf.if %cond3A_85 {
            %dma_wait3A = arith.constant 0 : i32
            %dma_wait3A_98 = tpu.memref_slice %arg8[%scan3A_44, %dma_wait3A] : memref<25x80xi32, #tpu.memory_space<vmem>> -> memref<1x80xi32, #tpu.memory_space<vmem>>
            %dma_wait3A_99 = tpu.memref_squeeze %dma_wait3A_98 : memref<1x80xi32, #tpu.memory_space<vmem>> -> memref<80xi32, #tpu.memory_space<vmem>>
            %dma_wait3A_100 = arith.constant 0 : i32
            %dma_wait3A_101 = arith.constant 0 : i32
            %dma_wait3A_102 = tpu.memref_slice %arg2[%dma_wait3A_100, %dma_wait3A_101] : memref<10240x128xf32, #tpu.memory_space<hbm>> -> memref<10240x128xf32, #tpu.memory_space<hbm>>
            tpu.wait_indirect_dma semaphore(%arg14 : memref<!tpu.dma_semaphore, #tpu.memory_space<semaphore_mem>>) src(%dma_wait3A_102 : memref<10240x128xf32, #tpu.memory_space<hbm>>) dst(%arg10 : memref<80x128xf32, #tpu.memory_space<vmem>>)
          } else {
          }
          %eq3A_86 = arith.constant 1 : i32
          %eq3A_87 = arith.cmpi eq, %arg0, %eq3A_86 : i32
          %convert_element_type3A_88 = arith.extui %eq3A_87 : i1 to i32
          %cond3A_89 = arith.constant 0 : i32
          %cond3A_90 = arith.cmpi ne, %convert_element_type3A_88, %cond3A_89 : i32
          scf.if %cond3A_90 {
            %dma_wait3A = arith.constant 0 : i32
            %dma_wait3A_98 = tpu.memref_slice %arg8[%scan3A_44, %dma_wait3A] : memref<25x80xi32, #tpu.memory_space<vmem>> -> memref<1x80xi32, #tpu.memory_space<vmem>>
            %dma_wait3A_99 = tpu.memref_squeeze %dma_wait3A_98 : memref<1x80xi32, #tpu.memory_space<vmem>> -> memref<80xi32, #tpu.memory_space<vmem>>
            %dma_wait3A_100 = arith.constant 0 : i32
            %dma_wait3A_101 = arith.constant 0 : i32
            %dma_wait3A_102 = tpu.memref_slice %arg3[%dma_wait3A_100, %dma_wait3A_101] : memref<10240x128xf32, #tpu.memory_space<hbm>> -> memref<10240x128xf32, #tpu.memory_space<hbm>>
            tpu.wait_indirect_dma semaphore(%arg14 : memref<!tpu.dma_semaphore, #tpu.memory_space<semaphore_mem>>) src(%dma_wait3A_102 : memref<10240x128xf32, #tpu.memory_space<hbm>>) dst(%arg10 : memref<80x128xf32, #tpu.memory_space<vmem>>)
          } else {
          }
          %add3A_91 = arith.constant 1 : i32
          %add3A_92 = arith.addi %scan3A_44, %add3A_91 : i32
          %lt3A_93 = arith.constant 25 : i32
          %lt3A_94 = arith.cmpi slt, %add3A_92, %lt3A_93 : i32
          %convert_element_type3A_95 = arith.extui %lt3A_94 : i1 to i32
          %cond3A_96 = arith.constant 0 : i32
          %cond3A_97 = arith.cmpi ne, %convert_element_type3A_95, %cond3A_96 : i32
          scf.if %cond3A_97 {
            %add3A_98 = arith.constant 1 : i32
            %add3A_99 = arith.addi %scan3A_44, %add3A_98 : i32
            %eq3A_100 = arith.constant 0 : i32
            %eq3A_101 = arith.cmpi eq, %arg0, %eq3A_100 : i32
            %convert_element_type3A_102 = arith.extui %eq3A_101 : i1 to i32
            %cond3A_103 = arith.constant 0 : i32
            %cond3A_104 = arith.cmpi ne, %convert_element_type3A_102, %cond3A_103 : i32
            scf.if %cond3A_104 {
              %dma_start3A = arith.constant 0 : i32
              %dma_start3A_110 = tpu.memref_slice %arg8[%add3A_99, %dma_start3A] : memref<25x80xi32, #tpu.memory_space<vmem>> -> memref<1x80xi32, #tpu.memory_space<vmem>>
              %dma_start3A_111 = tpu.memref_squeeze %dma_start3A_110 : memref<1x80xi32, #tpu.memory_space<vmem>> -> memref<80xi32, #tpu.memory_space<vmem>>
              %dma_start3A_112 = arith.constant 0 : i32
              %dma_start3A_113 = arith.constant 0 : i32
              %dma_start3A_114 = tpu.memref_slice %arg2[%dma_start3A_112, %dma_start3A_113] : memref<10240x128xf32, #tpu.memory_space<hbm>> -> memref<10240x128xf32, #tpu.memory_space<hbm>>
              tpu.enqueue_indirect_dma source(%dma_start3A_114 : memref<10240x128xf32, #tpu.memory_space<hbm>>) target(%arg11 : memref<80x128xf32, #tpu.memory_space<vmem>>) offsets(%dma_start3A_111 : memref<80xi32, #tpu.memory_space<vmem>>) semaphore(%arg15 : memref<!tpu.dma_semaphore, #tpu.memory_space<semaphore_mem>>)
            } else {
            }
            %eq3A_105 = arith.constant 1 : i32
            %eq3A_106 = arith.cmpi eq, %arg0, %eq3A_105 : i32
            %convert_element_type3A_107 = arith.extui %eq3A_106 : i1 to i32
            %cond3A_108 = arith.constant 0 : i32
            %cond3A_109 = arith.cmpi ne, %convert_element_type3A_107, %cond3A_108 : i32
            scf.if %cond3A_109 {
              %dma_start3A = arith.constant 0 : i32
              %dma_start3A_110 = tpu.memref_slice %arg8[%add3A_99, %dma_start3A] : memref<25x80xi32, #tpu.memory_space<vmem>> -> memref<1x80xi32, #tpu.memory_space<vmem>>
              %dma_start3A_111 = tpu.memref_squeeze %dma_start3A_110 : memref<1x80xi32, #tpu.memory_space<vmem>> -> memref<80xi32, #tpu.memory_space<vmem>>
              %dma_start3A_112 = arith.constant 0 : i32
              %dma_start3A_113 = arith.constant 0 : i32
              %dma_start3A_114 = tpu.memref_slice %arg3[%dma_start3A_112, %dma_start3A_113] : memref<10240x128xf32, #tpu.memory_space<hbm>> -> memref<10240x128xf32, #tpu.memory_space<hbm>>
              tpu.enqueue_indirect_dma source(%dma_start3A_114 : memref<10240x128xf32, #tpu.memory_space<hbm>>) target(%arg11 : memref<80x128xf32, #tpu.memory_space<vmem>>) offsets(%dma_start3A_111 : memref<80xi32, #tpu.memory_space<vmem>>) semaphore(%arg15 : memref<!tpu.dma_semaphore, #tpu.memory_space<semaphore_mem>>)
            } else {
            }
          } else {
          }
          "tpu.region"() ({
            %run_scoped3A = tpu.sem_alloc : memref<!tpu.dma_semaphore, #tpu.memory_space<semaphore_mem>>
            %dma_start3A = arith.constant 0 : i32
            %dma_start3A_98 = tpu.memref_slice %arg9[%scan3A_44, %dma_start3A] : memref<25x80xi32, #tpu.memory_space<vmem>> -> memref<1x80xi32, #tpu.memory_space<vmem>>
            %dma_start3A_99 = tpu.memref_squeeze %dma_start3A_98 : memref<1x80xi32, #tpu.memory_space<vmem>> -> memref<80xi32, #tpu.memory_space<vmem>>
            %dma_start3A_100 = arith.constant 0 : i32
            %dma_start3A_101 = arith.constant 0 : i32
            %dma_start3A_102 = tpu.memref_slice %arg13[%dma_start3A_100, %dma_start3A_101] : memref<10240x128xf32, #tpu.memory_space<vmem_shared>> -> memref<10240x128xf32, #tpu.memory_space<vmem_shared>>
            tpu.enqueue_indirect_dma source(%arg10 : memref<80x128xf32, #tpu.memory_space<vmem>>) target(%dma_start3A_102 : memref<10240x128xf32, #tpu.memory_space<vmem_shared>>) offsets(%dma_start3A_99 : memref<80xi32, #tpu.memory_space<vmem>>) semaphore(%run_scoped3A : memref<!tpu.dma_semaphore, #tpu.memory_space<semaphore_mem>>) {add = true}
            %dma_wait3A = arith.constant 0 : i32
            %dma_wait3A_103 = tpu.memref_slice %arg9[%scan3A_44, %dma_wait3A] : memref<25x80xi32, #tpu.memory_space<vmem>> -> memref<1x80xi32, #tpu.memory_space<vmem>>
            %dma_wait3A_104 = tpu.memref_squeeze %dma_wait3A_103 : memref<1x80xi32, #tpu.memory_space<vmem>> -> memref<80xi32, #tpu.memory_space<vmem>>
            %dma_wait3A_105 = arith.constant 0 : i32
            %dma_wait3A_106 = arith.constant 0 : i32
            %dma_wait3A_107 = tpu.memref_slice %arg13[%dma_wait3A_105, %dma_wait3A_106] : memref<10240x128xf32, #tpu.memory_space<vmem_shared>> -> memref<10240x128xf32, #tpu.memory_space<vmem_shared>>
            tpu.wait_indirect_dma semaphore(%run_scoped3A : memref<!tpu.dma_semaphore, #tpu.memory_space<semaphore_mem>>) src(%arg10 : memref<80x128xf32, #tpu.memory_space<vmem>>) dst(%dma_wait3A_107 : memref<10240x128xf32, #tpu.memory_space<vmem_shared>>)
            tpu.yield
          }) : () -> ()
        } else {
        }
        %jit3A_60 = arith.constant 2 : i32
        %eq3A_61 = arith.constant 0 : i32
        %eq3A_62 = arith.cmpi eq, %jit3A_60, %eq3A_61 : i32
        %jit3A_63 = arith.constant 1 : i32
        %select_n3A_64 = arith.select %eq3A_62, %jit3A_63, %jit3A_60 : i32
        %rem3A_65 = arith.remsi %scan3A_44, %select_n3A_64 : i32
        %ne3A_66 = arith.constant 0 : i32
        %ne3A_67 = arith.cmpi ne, %rem3A_65, %ne3A_66 : i32
        %lt3A_68 = arith.constant 0 : i32
        %lt3A_69 = arith.cmpi slt, %rem3A_65, %lt3A_68 : i32
        %lt3A_70 = arith.constant 0 : i32
        %lt3A_71 = arith.cmpi slt, %select_n3A_64, %lt3A_70 : i32
        %ne3A_72 = arith.xori %lt3A_69, %lt3A_71 : i1
        %and3A_73 = arith.andi %ne3A_72, %ne3A_67 : i1
        %add3A_74 = arith.addi %rem3A_65, %select_n3A_64 : i32
        %select_n3A_75 = arith.select %and3A_73, %add3A_74, %rem3A_65 : i32
        %eq3A_76 = arith.constant 1 : i32
        %eq3A_77 = arith.cmpi eq, %select_n3A_75, %eq3A_76 : i32
        %convert_element_type3A_78 = arith.extui %eq3A_77 : i1 to i32
        %cond3A_79 = arith.constant 0 : i32
        %cond3A_80 = arith.cmpi ne, %convert_element_type3A_78, %cond3A_79 : i32
        scf.if %cond3A_80 {
          %eq3A_81 = arith.constant 0 : i32
          %eq3A_82 = arith.cmpi eq, %arg0, %eq3A_81 : i32
          %convert_element_type3A_83 = arith.extui %eq3A_82 : i1 to i32
          %cond3A_84 = arith.constant 0 : i32
          %cond3A_85 = arith.cmpi ne, %convert_element_type3A_83, %cond3A_84 : i32
          scf.if %cond3A_85 {
            %dma_wait3A = arith.constant 0 : i32
            %dma_wait3A_98 = tpu.memref_slice %arg8[%scan3A_44, %dma_wait3A] : memref<25x80xi32, #tpu.memory_space<vmem>> -> memref<1x80xi32, #tpu.memory_space<vmem>>
            %dma_wait3A_99 = tpu.memref_squeeze %dma_wait3A_98 : memref<1x80xi32, #tpu.memory_space<vmem>> -> memref<80xi32, #tpu.memory_space<vmem>>
            %dma_wait3A_100 = arith.constant 0 : i32
            %dma_wait3A_101 = arith.constant 0 : i32
            %dma_wait3A_102 = tpu.memref_slice %arg2[%dma_wait3A_100, %dma_wait3A_101] : memref<10240x128xf32, #tpu.memory_space<hbm>> -> memref<10240x128xf32, #tpu.memory_space<hbm>>
            tpu.wait_indirect_dma semaphore(%arg15 : memref<!tpu.dma_semaphore, #tpu.memory_space<semaphore_mem>>) src(%dma_wait3A_102 : memref<10240x128xf32, #tpu.memory_space<hbm>>) dst(%arg11 : memref<80x128xf32, #tpu.memory_space<vmem>>)
          } else {
          }
          %eq3A_86 = arith.constant 1 : i32
          %eq3A_87 = arith.cmpi eq, %arg0, %eq3A_86 : i32
          %convert_element_type3A_88 = arith.extui %eq3A_87 : i1 to i32
          %cond3A_89 = arith.constant 0 : i32
          %cond3A_90 = arith.cmpi ne, %convert_element_type3A_88, %cond3A_89 : i32
          scf.if %cond3A_90 {
            %dma_wait3A = arith.constant 0 : i32
            %dma_wait3A_98 = tpu.memref_slice %arg8[%scan3A_44, %dma_wait3A] : memref<25x80xi32, #tpu.memory_space<vmem>> -> memref<1x80xi32, #tpu.memory_space<vmem>>
            %dma_wait3A_99 = tpu.memref_squeeze %dma_wait3A_98 : memref<1x80xi32, #tpu.memory_space<vmem>> -> memref<80xi32, #tpu.memory_space<vmem>>
            %dma_wait3A_100 = arith.constant 0 : i32
            %dma_wait3A_101 = arith.constant 0 : i32
            %dma_wait3A_102 = tpu.memref_slice %arg3[%dma_wait3A_100, %dma_wait3A_101] : memref<10240x128xf32, #tpu.memory_space<hbm>> -> memref<10240x128xf32, #tpu.memory_space<hbm>>
            tpu.wait_indirect_dma semaphore(%arg15 : memref<!tpu.dma_semaphore, #tpu.memory_space<semaphore_mem>>) src(%dma_wait3A_102 : memref<10240x128xf32, #tpu.memory_space<hbm>>) dst(%arg11 : memref<80x128xf32, #tpu.memory_space<vmem>>)
          } else {
          }
          %add3A_91 = arith.constant 1 : i32
          %add3A_92 = arith.addi %scan3A_44, %add3A_91 : i32
          %lt3A_93 = arith.constant 25 : i32
          %lt3A_94 = arith.cmpi slt, %add3A_92, %lt3A_93 : i32
          %convert_element_type3A_95 = arith.extui %lt3A_94 : i1 to i32
          %cond3A_96 = arith.constant 0 : i32
          %cond3A_97 = arith.cmpi ne, %convert_element_type3A_95, %cond3A_96 : i32
          scf.if %cond3A_97 {
            %add3A_98 = arith.constant 1 : i32
            %add3A_99 = arith.addi %scan3A_44, %add3A_98 : i32
            %eq3A_100 = arith.constant 0 : i32
            %eq3A_101 = arith.cmpi eq, %arg0, %eq3A_100 : i32
            %convert_element_type3A_102 = arith.extui %eq3A_101 : i1 to i32
            %cond3A_103 = arith.constant 0 : i32
            %cond3A_104 = arith.cmpi ne, %convert_element_type3A_102, %cond3A_103 : i32
            scf.if %cond3A_104 {
              %dma_start3A = arith.constant 0 : i32
              %dma_start3A_110 = tpu.memref_slice %arg8[%add3A_99, %dma_start3A] : memref<25x80xi32, #tpu.memory_space<vmem>> -> memref<1x80xi32, #tpu.memory_space<vmem>>
              %dma_start3A_111 = tpu.memref_squeeze %dma_start3A_110 : memref<1x80xi32, #tpu.memory_space<vmem>> -> memref<80xi32, #tpu.memory_space<vmem>>
              %dma_start3A_112 = arith.constant 0 : i32
              %dma_start3A_113 = arith.constant 0 : i32
              %dma_start3A_114 = tpu.memref_slice %arg2[%dma_start3A_112, %dma_start3A_113] : memref<10240x128xf32, #tpu.memory_space<hbm>> -> memref<10240x128xf32, #tpu.memory_space<hbm>>
              tpu.enqueue_indirect_dma source(%dma_start3A_114 : memref<10240x128xf32, #tpu.memory_space<hbm>>) target(%arg10 : memref<80x128xf32, #tpu.memory_space<vmem>>) offsets(%dma_start3A_111 : memref<80xi32, #tpu.memory_space<vmem>>) semaphore(%arg14 : memref<!tpu.dma_semaphore, #tpu.memory_space<semaphore_mem>>)
            } else {
            }
            %eq3A_105 = arith.constant 1 : i32
            %eq3A_106 = arith.cmpi eq, %arg0, %eq3A_105 : i32
            %convert_element_type3A_107 = arith.extui %eq3A_106 : i1 to i32
            %cond3A_108 = arith.constant 0 : i32
            %cond3A_109 = arith.cmpi ne, %convert_element_type3A_107, %cond3A_108 : i32
            scf.if %cond3A_109 {
              %dma_start3A = arith.constant 0 : i32
              %dma_start3A_110 = tpu.memref_slice %arg8[%add3A_99, %dma_start3A] : memref<25x80xi32, #tpu.memory_space<vmem>> -> memref<1x80xi32, #tpu.memory_space<vmem>>
              %dma_start3A_111 = tpu.memref_squeeze %dma_start3A_110 : memref<1x80xi32, #tpu.memory_space<vmem>> -> memref<80xi32, #tpu.memory_space<vmem>>
              %dma_start3A_112 = arith.constant 0 : i32
              %dma_start3A_113 = arith.constant 0 : i32
              %dma_start3A_114 = tpu.memref_slice %arg3[%dma_start3A_112, %dma_start3A_113] : memref<10240x128xf32, #tpu.memory_space<hbm>> -> memref<10240x128xf32, #tpu.memory_space<hbm>>
              tpu.enqueue_indirect_dma source(%dma_start3A_114 : memref<10240x128xf32, #tpu.memory_space<hbm>>) target(%arg10 : memref<80x128xf32, #tpu.memory_space<vmem>>) offsets(%dma_start3A_111 : memref<80xi32, #tpu.memory_space<vmem>>) semaphore(%arg14 : memref<!tpu.dma_semaphore, #tpu.memory_space<semaphore_mem>>)
            } else {
            }
          } else {
          }
          "tpu.region"() ({
            %run_scoped3A = tpu.sem_alloc : memref<!tpu.dma_semaphore, #tpu.memory_space<semaphore_mem>>
            %dma_start3A = arith.constant 0 : i32
            %dma_start3A_98 = tpu.memref_slice %arg9[%scan3A_44, %dma_start3A] : memref<25x80xi32, #tpu.memory_space<vmem>> -> memref<1x80xi32, #tpu.memory_space<vmem>>
            %dma_start3A_99 = tpu.memref_squeeze %dma_start3A_98 : memref<1x80xi32, #tpu.memory_space<vmem>> -> memref<80xi32, #tpu.memory_space<vmem>>
            %dma_start3A_100 = arith.constant 0 : i32
            %dma_start3A_101 = arith.constant 0 : i32
            %dma_start3A_102 = tpu.memref_slice %arg13[%dma_start3A_100, %dma_start3A_101] : memref<10240x128xf32, #tpu.memory_space<vmem_shared>> -> memref<10240x128xf32, #tpu.memory_space<vmem_shared>>
            tpu.enqueue_indirect_dma source(%arg11 : memref<80x128xf32, #tpu.memory_space<vmem>>) target(%dma_start3A_102 : memref<10240x128xf32, #tpu.memory_space<vmem_shared>>) offsets(%dma_start3A_99 : memref<80xi32, #tpu.memory_space<vmem>>) semaphore(%run_scoped3A : memref<!tpu.dma_semaphore, #tpu.memory_space<semaphore_mem>>) {add = true}
            %dma_wait3A = arith.constant 0 : i32
            %dma_wait3A_103 = tpu.memref_slice %arg9[%scan3A_44, %dma_wait3A] : memref<25x80xi32, #tpu.memory_space<vmem>> -> memref<1x80xi32, #tpu.memory_space<vmem>>
            %dma_wait3A_104 = tpu.memref_squeeze %dma_wait3A_103 : memref<1x80xi32, #tpu.memory_space<vmem>> -> memref<80xi32, #tpu.memory_space<vmem>>
            %dma_wait3A_105 = arith.constant 0 : i32
            %dma_wait3A_106 = arith.constant 0 : i32
            %dma_wait3A_107 = tpu.memref_slice %arg13[%dma_wait3A_105, %dma_wait3A_106] : memref<10240x128xf32, #tpu.memory_space<vmem_shared>> -> memref<10240x128xf32, #tpu.memory_space<vmem_shared>>
            tpu.wait_indirect_dma semaphore(%run_scoped3A : memref<!tpu.dma_semaphore, #tpu.memory_space<semaphore_mem>>) src(%arg11 : memref<80x128xf32, #tpu.memory_space<vmem>>) dst(%dma_wait3A_107 : memref<10240x128xf32, #tpu.memory_space<vmem_shared>>)
            tpu.yield
          }) : () -> ()
        } else {
        }
      }
      %scan3A_43 = arith.constant 25 : i32
    }
    %scan3A_17 = arith.constant 5 : i32
    %barrier3A_18 = arith.constant 0 : index
    tpu.barrier barrier_id(%barrier3A_18)
    %scan3A_19 = arith.constant 0 : i32
    %scan3A_20 = arith.constant 0 : i32
    %scan3A_21 = arith.constant 8 : i32
    %scan3A_22 = arith.addi %scan3A_20, %scan3A_21 : i32
    %scan3A_23 = arith.constant 1 : i32
    scf.for %scan3A_25 = %scan3A_20 to %scan3A_22 step %scan3A_23  : i32 {
      %mul3A_26 = arith.constant 80 : i32
      %mul3A_27 = arith.muli %scan3A_25, %mul3A_26 : i32
      %add3A = arith.addi %mul3A_0, %mul3A_27 : i32
      %scan3A_28 = arith.constant 0 : i32
      %scan3A_29 = arith.constant 0 : i32
      %scan3A_30 = arith.constant 5 : i32
      %scan3A_31 = arith.addi %scan3A_29, %scan3A_30 : i32
      %scan3A_32 = arith.constant 1 : i32
      scf.for %scan3A_41 = %scan3A_29 to %scan3A_31 step %scan3A_32  : i32 {
        %mul3A_42 = arith.constant 16 : i32
        %mul3A_43 = arith.muli %scan3A_41, %mul3A_42 : i32
        %add3A_44 = arith.addi %add3A, %mul3A_43 : i32
        %iota3A = tpu.iota {dimensions = array<i32: 0>} : vector<16xi32>
        %add3A_45 = vector.broadcast %add3A_44 : i32 to vector<16xi32>
        %add3A_46 = arith.addi %add3A_45, %iota3A : vector<16xi32>
        %mul3A_47 = arith.constant 16 : i32
        %mul3A_48 = arith.muli %scan3A_41, %mul3A_47 : i32
        %swap3A = arith.index_cast %mul3A_48 : i32 to index
        %swap3A_49 = tpu.vector_load %arg12[%swap3A] {strides = array<i32>} : memref<80xi32, #tpu.memory_space<vmem>>, vector<16xi32>,
        %swap3A_50 = vector.shape_cast %swap3A_49 : vector<16xi32> to vector<16xi32>
        %swap3A_51 = vector.shape_cast %add3A_46 : vector<16xi32> to vector<16xi32>
        tpu.vector_store %arg12[%swap3A], %swap3A_51 {strides = array<i32>} : memref<80xi32, #tpu.memory_space<vmem>>, vector<16xi32>,
      }
      %scan3A_33 = arith.constant 5 : i32
      "tpu.region"() ({
        %run_scoped3A = tpu.sem_alloc : memref<!tpu.dma_semaphore, #tpu.memory_space<semaphore_mem>>
        %dma_start3A = arith.constant 0 : i32
        %dma_start3A_41 = arith.constant 0 : i32
        %dma_start3A_42 = tpu.memref_slice %arg13[%dma_start3A, %dma_start3A_41] : memref<10240x128xf32, #tpu.memory_space<vmem_shared>> -> memref<10240x128xf32, #tpu.memory_space<vmem_shared>>
        tpu.enqueue_indirect_dma source(%dma_start3A_42 : memref<10240x128xf32, #tpu.memory_space<vmem_shared>>) target(%arg10 : memref<80x128xf32, #tpu.memory_space<vmem>>) offsets(%arg12 : memref<80xi32, #tpu.memory_space<vmem>>) semaphore(%run_scoped3A : memref<!tpu.dma_semaphore, #tpu.memory_space<semaphore_mem>>)
        %dma_wait3A = arith.constant 0 : i32
        %dma_wait3A_43 = arith.constant 0 : i32
        %dma_wait3A_44 = tpu.memref_slice %arg13[%dma_wait3A, %dma_wait3A_43] : memref<10240x128xf32, #tpu.memory_space<vmem_shared>> -> memref<10240x128xf32, #tpu.memory_space<vmem_shared>>
        tpu.wait_indirect_dma semaphore(%run_scoped3A : memref<!tpu.dma_semaphore, #tpu.memory_space<semaphore_mem>>) src(%dma_wait3A_44 : memref<10240x128xf32, #tpu.memory_space<vmem_shared>>) dst(%arg10 : memref<80x128xf32, #tpu.memory_space<vmem>>)
        tpu.yield
      }) : () -> ()
      %eq3A = arith.constant 0 : i32
      %eq3A_34 = arith.cmpi eq, %arg0, %eq3A : i32
      %convert_element_type3A = arith.extui %eq3A_34 : i1 to i32
      %cond3A = arith.constant 0 : i32
      %cond3A_35 = arith.cmpi ne, %convert_element_type3A, %cond3A : i32
      scf.if %cond3A_35 {
        "tpu.region"() ({
          %run_scoped3A = tpu.sem_alloc : memref<!tpu.dma_semaphore, #tpu.memory_space<semaphore_mem>>
          %dma_start3A = arith.constant 0 : i32
          %dma_start3A_41 = tpu.memref_slice %arg6[%add3A, %dma_start3A] : memref<10240x128xf32, #tpu.memory_space<hbm>> -> memref<80x128xf32, #tpu.memory_space<hbm>>
          %dma_start3A_42 = arith.constant 0 : i32
          %dma_start3A_43 = tpu.memref_slice %arg6[%add3A, %dma_start3A_42] : memref<10240x128xf32, #tpu.memory_space<hbm>> -> memref<80x128xf32, #tpu.memory_space<hbm>>
          tpu.enqueue_dma source(%arg10 : memref<80x128xf32, #tpu.memory_space<vmem>>) target(%dma_start3A_43 : memref<80x128xf32, #tpu.memory_space<hbm>>) target_semaphore(%run_scoped3A : memref<!tpu.dma_semaphore, #tpu.memory_space<semaphore_mem>>)
          %dma_wait3A = arith.constant 0 : i32
          %dma_wait3A_44 = tpu.memref_slice %arg6[%add3A, %dma_wait3A] : memref<10240x128xf32, #tpu.memory_space<hbm>> -> memref<80x128xf32, #tpu.memory_space<hbm>>
          %dma_wait3A_45 = arith.constant 0 : i32
          %dma_wait3A_46 = tpu.memref_slice %arg6[%add3A, %dma_wait3A_45] : memref<10240x128xf32, #tpu.memory_space<hbm>> -> memref<80x128xf32, #tpu.memory_space<hbm>>
          tpu.wait_dma2 semaphore(%run_scoped3A : memref<!tpu.dma_semaphore, #tpu.memory_space<semaphore_mem>>) src(%arg10 : memref<80x128xf32, #tpu.memory_space<vmem>>) dst(%dma_wait3A_46 : memref<80x128xf32, #tpu.memory_space<hbm>>)
          tpu.yield
        }) : () -> ()
      } else {
      }
      %eq3A_36 = arith.constant 1 : i32
      %eq3A_37 = arith.cmpi eq, %arg0, %eq3A_36 : i32
      %convert_element_type3A_38 = arith.extui %eq3A_37 : i1 to i32
      %cond3A_39 = arith.constant 0 : i32
      %cond3A_40 = arith.cmpi ne, %convert_element_type3A_38, %cond3A_39 : i32
      scf.if %cond3A_40 {
        "tpu.region"() ({
          %run_scoped3A = tpu.sem_alloc : memref<!tpu.dma_semaphore, #tpu.memory_space<semaphore_mem>>
          %dma_start3A = arith.constant 0 : i32
          %dma_start3A_41 = tpu.memref_slice %arg7[%add3A, %dma_start3A] : memref<10240x128xf32, #tpu.memory_space<hbm>> -> memref<80x128xf32, #tpu.memory_space<hbm>>
          %dma_start3A_42 = arith.constant 0 : i32
          %dma_start3A_43 = tpu.memref_slice %arg7[%add3A, %dma_start3A_42] : memref<10240x128xf32, #tpu.memory_space<hbm>> -> memref<80x128xf32, #tpu.memory_space<hbm>>
          tpu.enqueue_dma source(%arg10 : memref<80x128xf32, #tpu.memory_space<vmem>>) target(%dma_start3A_43 : memref<80x128xf32, #tpu.memory_space<hbm>>) target_semaphore(%run_scoped3A : memref<!tpu.dma_semaphore, #tpu.memory_space<semaphore_mem>>)
          %dma_wait3A = arith.constant 0 : i32
          %dma_wait3A_44 = tpu.memref_slice %arg7[%add3A, %dma_wait3A] : memref<10240x128xf32, #tpu.memory_space<hbm>> -> memref<80x128xf32, #tpu.memory_space<hbm>>
          %dma_wait3A_45 = arith.constant 0 : i32
          %dma_wait3A_46 = tpu.memref_slice %arg7[%add3A, %dma_wait3A_45] : memref<10240x128xf32, #tpu.memory_space<hbm>> -> memref<80x128xf32, #tpu.memory_space<hbm>>
          tpu.wait_dma2 semaphore(%run_scoped3A : memref<!tpu.dma_semaphore, #tpu.memory_space<semaphore_mem>>) src(%arg10 : memref<80x128xf32, #tpu.memory_space<vmem>>) dst(%dma_wait3A_46 : memref<80x128xf32, #tpu.memory_space<hbm>>)
          tpu.yield
        }) : () -> ()
      } else {
      }
    }
    %scan3A_24 = arith.constant 8 : i32
    return
  }
}

#map = affine_map<(d0, d1) -> (0, 0, 0)>
module attributes {stable_mosaic.version = 14 : i64} {
  func.func @_sc_deg_body(%arg0: i32, %arg1: i32, %arg2: memref<160x25x40xi32, #tpu.memory_space<hbm>>, %arg3: memref<2x10240x128xf32, #tpu.memory_space<hbm>>, %arg4: memref<25x40xi32, #tpu.memory_space<vmem>>, %arg5: memref<80x128xf32, #tpu.memory_space<vmem>>, %arg6: memref<40x128xf32, #tpu.memory_space<vmem>>, %arg7: memref<80xi32, #tpu.memory_space<vmem>>, %arg8: memref<10240x128xf32, #tpu.memory_space<vmem_shared>>, %arg9: memref<!tpu.dma_semaphore, #tpu.memory_space<semaphore_mem>>, %arg10: memref<!tpu.dma_semaphore, #tpu.memory_space<semaphore_mem>>) attributes {dimension_semantics = [#tpu.dimension_semantics<core_parallel>, #tpu.dimension_semantics<subcore_parallel>], iteration_bounds = array<i64: 2, 16>, scalar_prefetch = 0 : i64, scratch_operands = 7 : i64, tpu.core_type = #tpu.core_type<sc_vector_subcore>, window_params = [{transform_indices = #map}, {transform_indices = #map}]} {
    %mul3A = arith.constant 640 : i32
    %mul3A_0 = arith.muli %arg1, %mul3A : i32
    %scan3A = arith.constant 0 : i32
    %scan3A_1 = arith.constant 0 : i32
    %scan3A_2 = arith.constant 80 : i32
    %scan3A_3 = arith.addi %scan3A_1, %scan3A_2 : i32
    %scan3A_4 = arith.constant 1 : i32
    scf.for %scan3A_31 = %scan3A_1 to %scan3A_3 step %scan3A_4  : i32 {
      %broadcast_in_dim3A = arith.constant 0.000000e+00 : f32
      %broadcast_in_dim3A_32 = vector.broadcast %broadcast_in_dim3A : f32 to vector<16xf32>
      %swap3A = arith.index_cast %scan3A_31 : i32 to index
      %swap3A_33 = arith.constant 0 : index
      %swap3A_34 = tpu.vector_load %arg5[%swap3A, %swap3A_33] {strides = array<i32>} : memref<80x128xf32, #tpu.memory_space<vmem>>, vector<1x16xf32>,
      %swap3A_35 = vector.shape_cast %swap3A_34 : vector<1x16xf32> to vector<16xf32>
      %swap3A_36 = vector.shape_cast %broadcast_in_dim3A_32 : vector<16xf32> to vector<1x16xf32>
      tpu.vector_store %arg5[%swap3A, %swap3A_33], %swap3A_36 {strides = array<i32>} : memref<80x128xf32, #tpu.memory_space<vmem>>, vector<1x16xf32>,
      %broadcast_in_dim3A_37 = arith.constant 0.000000e+00 : f32
      %broadcast_in_dim3A_38 = vector.broadcast %broadcast_in_dim3A_37 : f32 to vector<16xf32>
      %swap3A_39 = arith.index_cast %scan3A_31 : i32 to index
      %swap3A_40 = arith.constant 16 : index
      %swap3A_41 = tpu.vector_load %arg5[%swap3A_39, %swap3A_40] {strides = array<i32>} : memref<80x128xf32, #tpu.memory_space<vmem>>, vector<1x16xf32>,
      %swap3A_42 = vector.shape_cast %swap3A_41 : vector<1x16xf32> to vector<16xf32>
      %swap3A_43 = vector.shape_cast %broadcast_in_dim3A_38 : vector<16xf32> to vector<1x16xf32>
      tpu.vector_store %arg5[%swap3A_39, %swap3A_40], %swap3A_43 {strides = array<i32>} : memref<80x128xf32, #tpu.memory_space<vmem>>, vector<1x16xf32>,
      %broadcast_in_dim3A_44 = arith.constant 0.000000e+00 : f32
      %broadcast_in_dim3A_45 = vector.broadcast %broadcast_in_dim3A_44 : f32 to vector<16xf32>
      %swap3A_46 = arith.index_cast %scan3A_31 : i32 to index
      %swap3A_47 = arith.constant 32 : index
      %swap3A_48 = tpu.vector_load %arg5[%swap3A_46, %swap3A_47] {strides = array<i32>} : memref<80x128xf32, #tpu.memory_space<vmem>>, vector<1x16xf32>,
      %swap3A_49 = vector.shape_cast %swap3A_48 : vector<1x16xf32> to vector<16xf32>
      %swap3A_50 = vector.shape_cast %broadcast_in_dim3A_45 : vector<16xf32> to vector<1x16xf32>
      tpu.vector_store %arg5[%swap3A_46, %swap3A_47], %swap3A_50 {strides = array<i32>} : memref<80x128xf32, #tpu.memory_space<vmem>>, vector<1x16xf32>,
      %broadcast_in_dim3A_51 = arith.constant 0.000000e+00 : f32
      %broadcast_in_dim3A_52 = vector.broadcast %broadcast_in_dim3A_51 : f32 to vector<16xf32>
      %swap3A_53 = arith.index_cast %scan3A_31 : i32 to index
      %swap3A_54 = arith.constant 48 : index
      %swap3A_55 = tpu.vector_load %arg5[%swap3A_53, %swap3A_54] {strides = array<i32>} : memref<80x128xf32, #tpu.memory_space<vmem>>, vector<1x16xf32>,
      %swap3A_56 = vector.shape_cast %swap3A_55 : vector<1x16xf32> to vector<16xf32>
      %swap3A_57 = vector.shape_cast %broadcast_in_dim3A_52 : vector<16xf32> to vector<1x16xf32>
      tpu.vector_store %arg5[%swap3A_53, %swap3A_54], %swap3A_57 {strides = array<i32>} : memref<80x128xf32, #tpu.memory_space<vmem>>, vector<1x16xf32>,
      %broadcast_in_dim3A_58 = arith.constant 0.000000e+00 : f32
      %broadcast_in_dim3A_59 = vector.broadcast %broadcast_in_dim3A_58 : f32 to vector<16xf32>
      %swap3A_60 = arith.index_cast %scan3A_31 : i32 to index
      %swap3A_61 = arith.constant 64 : index
      %swap3A_62 = tpu.vector_load %arg5[%swap3A_60, %swap3A_61] {strides = array<i32>} : memref<80x128xf32, #tpu.memory_space<vmem>>, vector<1x16xf32>,
      %swap3A_63 = vector.shape_cast %swap3A_62 : vector<1x16xf32> to vector<16xf32>
      %swap3A_64 = vector.shape_cast %broadcast_in_dim3A_59 : vector<16xf32> to vector<1x16xf32>
      tpu.vector_store %arg5[%swap3A_60, %swap3A_61], %swap3A_64 {strides = array<i32>} : memref<80x128xf32, #tpu.memory_space<vmem>>, vector<1x16xf32>,
      %broadcast_in_dim3A_65 = arith.constant 0.000000e+00 : f32
      %broadcast_in_dim3A_66 = vector.broadcast %broadcast_in_dim3A_65 : f32 to vector<16xf32>
      %swap3A_67 = arith.index_cast %scan3A_31 : i32 to index
      %swap3A_68 = arith.constant 80 : index
      %swap3A_69 = tpu.vector_load %arg5[%swap3A_67, %swap3A_68] {strides = array<i32>} : memref<80x128xf32, #tpu.memory_space<vmem>>, vector<1x16xf32>,
      %swap3A_70 = vector.shape_cast %swap3A_69 : vector<1x16xf32> to vector<16xf32>
      %swap3A_71 = vector.shape_cast %broadcast_in_dim3A_66 : vector<16xf32> to vector<1x16xf32>
      tpu.vector_store %arg5[%swap3A_67, %swap3A_68], %swap3A_71 {strides = array<i32>} : memref<80x128xf32, #tpu.memory_space<vmem>>, vector<1x16xf32>,
      %broadcast_in_dim3A_72 = arith.constant 0.000000e+00 : f32
      %broadcast_in_dim3A_73 = vector.broadcast %broadcast_in_dim3A_72 : f32 to vector<16xf32>
      %swap3A_74 = arith.index_cast %scan3A_31 : i32 to index
      %swap3A_75 = arith.constant 96 : index
      %swap3A_76 = tpu.vector_load %arg5[%swap3A_74, %swap3A_75] {strides = array<i32>} : memref<80x128xf32, #tpu.memory_space<vmem>>, vector<1x16xf32>,
      %swap3A_77 = vector.shape_cast %swap3A_76 : vector<1x16xf32> to vector<16xf32>
      %swap3A_78 = vector.shape_cast %broadcast_in_dim3A_73 : vector<16xf32> to vector<1x16xf32>
      tpu.vector_store %arg5[%swap3A_74, %swap3A_75], %swap3A_78 {strides = array<i32>} : memref<80x128xf32, #tpu.memory_space<vmem>>, vector<1x16xf32>,
      %broadcast_in_dim3A_79 = arith.constant 0.000000e+00 : f32
      %broadcast_in_dim3A_80 = vector.broadcast %broadcast_in_dim3A_79 : f32 to vector<16xf32>
      %swap3A_81 = arith.index_cast %scan3A_31 : i32 to index
      %swap3A_82 = arith.constant 112 : index
      %swap3A_83 = tpu.vector_load %arg5[%swap3A_81, %swap3A_82] {strides = array<i32>} : memref<80x128xf32, #tpu.memory_space<vmem>>, vector<1x16xf32>,
      %swap3A_84 = vector.shape_cast %swap3A_83 : vector<1x16xf32> to vector<16xf32>
      %swap3A_85 = vector.shape_cast %broadcast_in_dim3A_80 : vector<16xf32> to vector<1x16xf32>
      tpu.vector_store %arg5[%swap3A_81, %swap3A_82], %swap3A_85 {strides = array<i32>} : memref<80x128xf32, #tpu.memory_space<vmem>>, vector<1x16xf32>,
    }
    %scan3A_5 = arith.constant 80 : i32
    %scan3A_6 = arith.constant 0 : i32
    %scan3A_7 = arith.constant 0 : i32
    %scan3A_8 = arith.constant 40 : i32
    %scan3A_9 = arith.addi %scan3A_7, %scan3A_8 : i32
    %scan3A_10 = arith.constant 1 : i32
    scf.for %scan3A_31 = %scan3A_7 to %scan3A_9 step %scan3A_10  : i32 {
      %broadcast_in_dim3A = arith.constant 1.000000e+00 : f32
      %broadcast_in_dim3A_32 = vector.broadcast %broadcast_in_dim3A : f32 to vector<16xf32>
      %swap3A = arith.index_cast %scan3A_31 : i32 to index
      %swap3A_33 = arith.constant 0 : index
      %swap3A_34 = tpu.vector_load %arg6[%swap3A, %swap3A_33] {strides = array<i32>} : memref<40x128xf32, #tpu.memory_space<vmem>>, vector<1x16xf32>,
      %swap3A_35 = vector.shape_cast %swap3A_34 : vector<1x16xf32> to vector<16xf32>
      %swap3A_36 = vector.shape_cast %broadcast_in_dim3A_32 : vector<16xf32> to vector<1x16xf32>
      tpu.vector_store %arg6[%swap3A, %swap3A_33], %swap3A_36 {strides = array<i32>} : memref<40x128xf32, #tpu.memory_space<vmem>>, vector<1x16xf32>,
      %broadcast_in_dim3A_37 = arith.constant 1.000000e+00 : f32
      %broadcast_in_dim3A_38 = vector.broadcast %broadcast_in_dim3A_37 : f32 to vector<16xf32>
      %swap3A_39 = arith.index_cast %scan3A_31 : i32 to index
      %swap3A_40 = arith.constant 16 : index
      %swap3A_41 = tpu.vector_load %arg6[%swap3A_39, %swap3A_40] {strides = array<i32>} : memref<40x128xf32, #tpu.memory_space<vmem>>, vector<1x16xf32>,
      %swap3A_42 = vector.shape_cast %swap3A_41 : vector<1x16xf32> to vector<16xf32>
      %swap3A_43 = vector.shape_cast %broadcast_in_dim3A_38 : vector<16xf32> to vector<1x16xf32>
      tpu.vector_store %arg6[%swap3A_39, %swap3A_40], %swap3A_43 {strides = array<i32>} : memref<40x128xf32, #tpu.memory_space<vmem>>, vector<1x16xf32>,
      %broadcast_in_dim3A_44 = arith.constant 1.000000e+00 : f32
      %broadcast_in_dim3A_45 = vector.broadcast %broadcast_in_dim3A_44 : f32 to vector<16xf32>
      %swap3A_46 = arith.index_cast %scan3A_31 : i32 to index
      %swap3A_47 = arith.constant 32 : index
      %swap3A_48 = tpu.vector_load %arg6[%swap3A_46, %swap3A_47] {strides = array<i32>} : memref<40x128xf32, #tpu.memory_space<vmem>>, vector<1x16xf32>,
      %swap3A_49 = vector.shape_cast %swap3A_48 : vector<1x16xf32> to vector<16xf32>
      %swap3A_50 = vector.shape_cast %broadcast_in_dim3A_45 : vector<16xf32> to vector<1x16xf32>
      tpu.vector_store %arg6[%swap3A_46, %swap3A_47], %swap3A_50 {strides = array<i32>} : memref<40x128xf32, #tpu.memory_space<vmem>>, vector<1x16xf32>,
      %broadcast_in_dim3A_51 = arith.constant 1.000000e+00 : f32
      %broadcast_in_dim3A_52 = vector.broadcast %broadcast_in_dim3A_51 : f32 to vector<16xf32>
      %swap3A_53 = arith.index_cast %scan3A_31 : i32 to index
      %swap3A_54 = arith.constant 48 : index
      %swap3A_55 = tpu.vector_load %arg6[%swap3A_53, %swap3A_54] {strides = array<i32>} : memref<40x128xf32, #tpu.memory_space<vmem>>, vector<1x16xf32>,
      %swap3A_56 = vector.shape_cast %swap3A_55 : vector<1x16xf32> to vector<16xf32>
      %swap3A_57 = vector.shape_cast %broadcast_in_dim3A_52 : vector<16xf32> to vector<1x16xf32>
      tpu.vector_store %arg6[%swap3A_53, %swap3A_54], %swap3A_57 {strides = array<i32>} : memref<40x128xf32, #tpu.memory_space<vmem>>, vector<1x16xf32>,
      %broadcast_in_dim3A_58 = arith.constant 1.000000e+00 : f32
      %broadcast_in_dim3A_59 = vector.broadcast %broadcast_in_dim3A_58 : f32 to vector<16xf32>
      %swap3A_60 = arith.index_cast %scan3A_31 : i32 to index
      %swap3A_61 = arith.constant 64 : index
      %swap3A_62 = tpu.vector_load %arg6[%swap3A_60, %swap3A_61] {strides = array<i32>} : memref<40x128xf32, #tpu.memory_space<vmem>>, vector<1x16xf32>,
      %swap3A_63 = vector.shape_cast %swap3A_62 : vector<1x16xf32> to vector<16xf32>
      %swap3A_64 = vector.shape_cast %broadcast_in_dim3A_59 : vector<16xf32> to vector<1x16xf32>
      tpu.vector_store %arg6[%swap3A_60, %swap3A_61], %swap3A_64 {strides = array<i32>} : memref<40x128xf32, #tpu.memory_space<vmem>>, vector<1x16xf32>,
      %broadcast_in_dim3A_65 = arith.constant 1.000000e+00 : f32
      %broadcast_in_dim3A_66 = vector.broadcast %broadcast_in_dim3A_65 : f32 to vector<16xf32>
      %swap3A_67 = arith.index_cast %scan3A_31 : i32 to index
      %swap3A_68 = arith.constant 80 : index
      %swap3A_69 = tpu.vector_load %arg6[%swap3A_67, %swap3A_68] {strides = array<i32>} : memref<40x128xf32, #tpu.memory_space<vmem>>, vector<1x16xf32>,
      %swap3A_70 = vector.shape_cast %swap3A_69 : vector<1x16xf32> to vector<16xf32>
      %swap3A_71 = vector.shape_cast %broadcast_in_dim3A_66 : vector<16xf32> to vector<1x16xf32>
      tpu.vector_store %arg6[%swap3A_67, %swap3A_68], %swap3A_71 {strides = array<i32>} : memref<40x128xf32, #tpu.memory_space<vmem>>, vector<1x16xf32>,
      %broadcast_in_dim3A_72 = arith.constant 1.000000e+00 : f32
      %broadcast_in_dim3A_73 = vector.broadcast %broadcast_in_dim3A_72 : f32 to vector<16xf32>
      %swap3A_74 = arith.index_cast %scan3A_31 : i32 to index
      %swap3A_75 = arith.constant 96 : index
      %swap3A_76 = tpu.vector_load %arg6[%swap3A_74, %swap3A_75] {strides = array<i32>} : memref<40x128xf32, #tpu.memory_space<vmem>>, vector<1x16xf32>,
      %swap3A_77 = vector.shape_cast %swap3A_76 : vector<1x16xf32> to vector<16xf32>
      %swap3A_78 = vector.shape_cast %broadcast_in_dim3A_73 : vector<16xf32> to vector<1x16xf32>
      tpu.vector_store %arg6[%swap3A_74, %swap3A_75], %swap3A_78 {strides = array<i32>} : memref<40x128xf32, #tpu.memory_space<vmem>>, vector<1x16xf32>,
      %broadcast_in_dim3A_79 = arith.constant 1.000000e+00 : f32
      %broadcast_in_dim3A_80 = vector.broadcast %broadcast_in_dim3A_79 : f32 to vector<16xf32>
      %swap3A_81 = arith.index_cast %scan3A_31 : i32 to index
      %swap3A_82 = arith.constant 112 : index
      %swap3A_83 = tpu.vector_load %arg6[%swap3A_81, %swap3A_82] {strides = array<i32>} : memref<40x128xf32, #tpu.memory_space<vmem>>, vector<1x16xf32>,
      %swap3A_84 = vector.shape_cast %swap3A_83 : vector<1x16xf32> to vector<16xf32>
      %swap3A_85 = vector.shape_cast %broadcast_in_dim3A_80 : vector<16xf32> to vector<1x16xf32>
      tpu.vector_store %arg6[%swap3A_81, %swap3A_82], %swap3A_85 {strides = array<i32>} : memref<40x128xf32, #tpu.memory_space<vmem>>, vector<1x16xf32>,
    }
    %scan3A_11 = arith.constant 40 : i32
    %scan3A_12 = arith.constant 0 : i32
    %scan3A_13 = arith.constant 0 : i32
    %scan3A_14 = arith.constant 8 : i32
    %scan3A_15 = arith.addi %scan3A_13, %scan3A_14 : i32
    %scan3A_16 = arith.constant 1 : i32
    scf.for %scan3A_31 = %scan3A_13 to %scan3A_15 step %scan3A_16  : i32 {
      %mul3A_32 = arith.constant 80 : i32
      %mul3A_33 = arith.muli %scan3A_31, %mul3A_32 : i32
      %add3A = arith.addi %mul3A_0, %mul3A_33 : i32
      %scan3A_34 = arith.constant 0 : i32
      %scan3A_35 = arith.constant 0 : i32
      %scan3A_36 = arith.constant 5 : i32
      %scan3A_37 = arith.addi %scan3A_35, %scan3A_36 : i32
      %scan3A_38 = arith.constant 1 : i32
      scf.for %scan3A_40 = %scan3A_35 to %scan3A_37 step %scan3A_38  : i32 {
        %mul3A_41 = arith.constant 16 : i32
        %mul3A_42 = arith.muli %scan3A_40, %mul3A_41 : i32
        %add3A_43 = arith.addi %add3A, %mul3A_42 : i32
        %iota3A = tpu.iota {dimensions = array<i32: 0>} : vector<16xi32>
        %add3A_44 = vector.broadcast %add3A_43 : i32 to vector<16xi32>
        %add3A_45 = arith.addi %add3A_44, %iota3A : vector<16xi32>
        %mul3A_46 = arith.constant 16 : i32
        %mul3A_47 = arith.muli %scan3A_40, %mul3A_46 : i32
        %swap3A = arith.index_cast %mul3A_47 : i32 to index
        %swap3A_48 = tpu.vector_load %arg7[%swap3A] {strides = array<i32>} : memref<80xi32, #tpu.memory_space<vmem>>, vector<16xi32>,
        %swap3A_49 = vector.shape_cast %swap3A_48 : vector<16xi32> to vector<16xi32>
        %swap3A_50 = vector.shape_cast %add3A_45 : vector<16xi32> to vector<16xi32>
        tpu.vector_store %arg7[%swap3A], %swap3A_50 {strides = array<i32>} : memref<80xi32, #tpu.memory_space<vmem>>, vector<16xi32>,
      }
      %scan3A_39 = arith.constant 5 : i32
      "tpu.region"() ({
        %run_scoped3A = tpu.sem_alloc : memref<!tpu.dma_semaphore, #tpu.memory_space<semaphore_mem>>
        %dma_start3A = arith.constant 0 : i32
        %dma_start3A_40 = arith.constant 0 : i32
        %dma_start3A_41 = tpu.memref_slice %arg8[%dma_start3A, %dma_start3A_40] : memref<10240x128xf32, #tpu.memory_space<vmem_shared>> -> memref<10240x128xf32, #tpu.memory_space<vmem_shared>>
        tpu.enqueue_indirect_dma source(%arg5 : memref<80x128xf32, #tpu.memory_space<vmem>>) target(%dma_start3A_41 : memref<10240x128xf32, #tpu.memory_space<vmem_shared>>) offsets(%arg7 : memref<80xi32, #tpu.memory_space<vmem>>) semaphore(%run_scoped3A : memref<!tpu.dma_semaphore, #tpu.memory_space<semaphore_mem>>)
        %dma_wait3A = arith.constant 0 : i32
        %dma_wait3A_42 = arith.constant 0 : i32
        %dma_wait3A_43 = tpu.memref_slice %arg8[%dma_wait3A, %dma_wait3A_42] : memref<10240x128xf32, #tpu.memory_space<vmem_shared>> -> memref<10240x128xf32, #tpu.memory_space<vmem_shared>>
        tpu.wait_indirect_dma semaphore(%run_scoped3A : memref<!tpu.dma_semaphore, #tpu.memory_space<semaphore_mem>>) src(%arg5 : memref<80x128xf32, #tpu.memory_space<vmem>>) dst(%dma_wait3A_43 : memref<10240x128xf32, #tpu.memory_space<vmem_shared>>)
        tpu.yield
      }) : () -> ()
    }
    %scan3A_17 = arith.constant 8 : i32
    %barrier3A = arith.constant 0 : index
    tpu.barrier barrier_id(%barrier3A)
    %scan3A_18 = arith.constant 0 : i32
    %scan3A_19 = arith.constant 0 : i32
    %scan3A_20 = arith.constant 5 : i32
    %scan3A_21 = arith.addi %scan3A_19, %scan3A_20 : i32
    %scan3A_22 = arith.constant 1 : i32
    scf.for %scan3A_31 = %scan3A_19 to %scan3A_21 step %scan3A_22  : i32 {
      %mul3A_32 = arith.constant 16 : i32
      %mul3A_33 = arith.muli %arg0, %mul3A_32 : i32
      %add3A = arith.addi %mul3A_33, %arg1 : i32
      %mul3A_34 = arith.constant 5 : i32
      %mul3A_35 = arith.muli %add3A, %mul3A_34 : i32
      %add3A_36 = arith.addi %mul3A_35, %scan3A_31 : i32
      "tpu.region"() ({
        %run_scoped3A = tpu.sem_alloc : memref<!tpu.dma_semaphore, #tpu.memory_space<semaphore_mem>>
        %dma_start3A_49 = arith.constant 0 : i32
        %dma_start3A_50 = arith.constant 0 : i32
        %dma_start3A_51 = tpu.memref_slice %arg2[%add3A_36, %dma_start3A_49, %dma_start3A_50] : memref<160x25x40xi32, #tpu.memory_space<hbm>> -> memref<1x25x40xi32, #tpu.memory_space<hbm>>
        %dma_start3A_52 = tpu.memref_squeeze %dma_start3A_51 : memref<1x25x40xi32, #tpu.memory_space<hbm>> -> memref<25x40xi32, #tpu.memory_space<hbm>>
        %dma_start3A_53 = arith.constant 0 : i32
        %dma_start3A_54 = arith.constant 0 : i32
        %dma_start3A_55 = tpu.memref_slice %arg2[%add3A_36, %dma_start3A_53, %dma_start3A_54] : memref<160x25x40xi32, #tpu.memory_space<hbm>> -> memref<1x25x40xi32, #tpu.memory_space<hbm>>
        %dma_start3A_56 = tpu.memref_squeeze %dma_start3A_55 : memref<1x25x40xi32, #tpu.memory_space<hbm>> -> memref<25x40xi32, #tpu.memory_space<hbm>>
        tpu.enqueue_dma source(%dma_start3A_56 : memref<25x40xi32, #tpu.memory_space<hbm>>) target(%arg4 : memref<25x40xi32, #tpu.memory_space<vmem>>) target_semaphore(%run_scoped3A : memref<!tpu.dma_semaphore, #tpu.memory_space<semaphore_mem>>)
        %dma_wait3A = arith.constant 0 : i32
        %dma_wait3A_57 = arith.constant 0 : i32
        %dma_wait3A_58 = tpu.memref_slice %arg2[%add3A_36, %dma_wait3A, %dma_wait3A_57] : memref<160x25x40xi32, #tpu.memory_space<hbm>> -> memref<1x25x40xi32, #tpu.memory_space<hbm>>
        %dma_wait3A_59 = tpu.memref_squeeze %dma_wait3A_58 : memref<1x25x40xi32, #tpu.memory_space<hbm>> -> memref<25x40xi32, #tpu.memory_space<hbm>>
        %dma_wait3A_60 = arith.constant 0 : i32
        %dma_wait3A_61 = arith.constant 0 : i32
        %dma_wait3A_62 = tpu.memref_slice %arg2[%add3A_36, %dma_wait3A_60, %dma_wait3A_61] : memref<160x25x40xi32, #tpu.memory_space<hbm>> -> memref<1x25x40xi32, #tpu.memory_space<hbm>>
        %dma_wait3A_63 = tpu.memref_squeeze %dma_wait3A_62 : memref<1x25x40xi32, #tpu.memory_space<hbm>> -> memref<25x40xi32, #tpu.memory_space<hbm>>
        tpu.wait_dma2 semaphore(%run_scoped3A : memref<!tpu.dma_semaphore, #tpu.memory_space<semaphore_mem>>) src(%dma_wait3A_63 : memref<25x40xi32, #tpu.memory_space<hbm>>) dst(%arg4 : memref<25x40xi32, #tpu.memory_space<vmem>>)
        tpu.yield
      }) : () -> ()
      %dma_start3A = arith.constant 0 : i32
      %dma_start3A_37 = arith.constant 0 : i32
      %dma_start3A_38 = tpu.memref_slice %arg4[%dma_start3A, %dma_start3A_37] : memref<25x40xi32, #tpu.memory_space<vmem>> -> memref<1x40xi32, #tpu.memory_space<vmem>>
      %dma_start3A_39 = tpu.memref_squeeze %dma_start3A_38 : memref<1x40xi32, #tpu.memory_space<vmem>> -> memref<40xi32, #tpu.memory_space<vmem>>
      %dma_start3A_40 = arith.constant 0 : i32
      %dma_start3A_41 = arith.constant 0 : i32
      %dma_start3A_42 = tpu.memref_slice %arg8[%dma_start3A_40, %dma_start3A_41] : memref<10240x128xf32, #tpu.memory_space<vmem_shared>> -> memref<10240x128xf32, #tpu.memory_space<vmem_shared>>
      tpu.enqueue_indirect_dma source(%arg6 : memref<40x128xf32, #tpu.memory_space<vmem>>) target(%dma_start3A_42 : memref<10240x128xf32, #tpu.memory_space<vmem_shared>>) offsets(%dma_start3A_39 : memref<40xi32, #tpu.memory_space<vmem>>) semaphore(%arg9 : memref<!tpu.dma_semaphore, #tpu.memory_space<semaphore_mem>>) {add = true}
      %scan3A_43 = arith.constant 0 : i32
      %scan3A_44 = arith.constant 0 : i32
      %scan3A_45 = arith.constant 25 : i32
      %scan3A_46 = arith.addi %scan3A_44, %scan3A_45 : i32
      %scan3A_47 = arith.constant 1 : i32
      scf.for %scan3A_49 = %scan3A_44 to %scan3A_46 step %scan3A_47  : i32 {
        %jit3A = arith.constant 2 : i32
        %eq3A = arith.constant 0 : i32
        %eq3A_50 = arith.cmpi eq, %jit3A, %eq3A : i32
        %jit3A_51 = arith.constant 1 : i32
        %select_n3A = arith.select %eq3A_50, %jit3A_51, %jit3A : i32
        %rem3A = arith.remsi %scan3A_49, %select_n3A : i32
        %ne3A = arith.constant 0 : i32
        %ne3A_52 = arith.cmpi ne, %rem3A, %ne3A : i32
        %lt3A = arith.constant 0 : i32
        %lt3A_53 = arith.cmpi slt, %rem3A, %lt3A : i32
        %lt3A_54 = arith.constant 0 : i32
        %lt3A_55 = arith.cmpi slt, %select_n3A, %lt3A_54 : i32
        %ne3A_56 = arith.xori %lt3A_53, %lt3A_55 : i1
        %and3A = arith.andi %ne3A_56, %ne3A_52 : i1
        %add3A_57 = arith.addi %rem3A, %select_n3A : i32
        %select_n3A_58 = arith.select %and3A, %add3A_57, %rem3A : i32
        %eq3A_59 = arith.constant 0 : i32
        %eq3A_60 = arith.cmpi eq, %select_n3A_58, %eq3A_59 : i32
        %convert_element_type3A = arith.extui %eq3A_60 : i1 to i32
        %cond3A = arith.constant 0 : i32
        %cond3A_61 = arith.cmpi ne, %convert_element_type3A, %cond3A : i32
        scf.if %cond3A_61 {
          %add3A_83 = arith.constant 1 : i32
          %add3A_84 = arith.addi %scan3A_49, %add3A_83 : i32
          %lt3A_85 = arith.constant 25 : i32
          %lt3A_86 = arith.cmpi slt, %add3A_84, %lt3A_85 : i32
          %convert_element_type3A_87 = arith.extui %lt3A_86 : i1 to i32
          %cond3A_88 = arith.constant 0 : i32
          %cond3A_89 = arith.cmpi ne, %convert_element_type3A_87, %cond3A_88 : i32
          scf.if %cond3A_89 {
            %add3A_95 = arith.constant 1 : i32
            %add3A_96 = arith.addi %scan3A_49, %add3A_95 : i32
            %dma_start3A_97 = arith.constant 0 : i32
            %dma_start3A_98 = tpu.memref_slice %arg4[%add3A_96, %dma_start3A_97] : memref<25x40xi32, #tpu.memory_space<vmem>> -> memref<1x40xi32, #tpu.memory_space<vmem>>
            %dma_start3A_99 = tpu.memref_squeeze %dma_start3A_98 : memref<1x40xi32, #tpu.memory_space<vmem>> -> memref<40xi32, #tpu.memory_space<vmem>>
            %dma_start3A_100 = arith.constant 0 : i32
            %dma_start3A_101 = arith.constant 0 : i32
            %dma_start3A_102 = tpu.memref_slice %arg8[%dma_start3A_100, %dma_start3A_101] : memref<10240x128xf32, #tpu.memory_space<vmem_shared>> -> memref<10240x128xf32, #tpu.memory_space<vmem_shared>>
            tpu.enqueue_indirect_dma source(%arg6 : memref<40x128xf32, #tpu.memory_space<vmem>>) target(%dma_start3A_102 : memref<10240x128xf32, #tpu.memory_space<vmem_shared>>) offsets(%dma_start3A_99 : memref<40xi32, #tpu.memory_space<vmem>>) semaphore(%arg10 : memref<!tpu.dma_semaphore, #tpu.memory_space<semaphore_mem>>) {add = true}
          } else {
          }
          %dma_wait3A = arith.constant 0 : i32
          %dma_wait3A_90 = tpu.memref_slice %arg4[%scan3A_49, %dma_wait3A] : memref<25x40xi32, #tpu.memory_space<vmem>> -> memref<1x40xi32, #tpu.memory_space<vmem>>
          %dma_wait3A_91 = tpu.memref_squeeze %dma_wait3A_90 : memref<1x40xi32, #tpu.memory_space<vmem>> -> memref<40xi32, #tpu.memory_space<vmem>>
          %dma_wait3A_92 = arith.constant 0 : i32
          %dma_wait3A_93 = arith.constant 0 : i32
          %dma_wait3A_94 = tpu.memref_slice %arg8[%dma_wait3A_92, %dma_wait3A_93] : memref<10240x128xf32, #tpu.memory_space<vmem_shared>> -> memref<10240x128xf32, #tpu.memory_space<vmem_shared>>
          tpu.wait_indirect_dma semaphore(%arg9 : memref<!tpu.dma_semaphore, #tpu.memory_space<semaphore_mem>>) src(%arg6 : memref<40x128xf32, #tpu.memory_space<vmem>>) dst(%dma_wait3A_94 : memref<10240x128xf32, #tpu.memory_space<vmem_shared>>)
        } else {
        }
        %jit3A_62 = arith.constant 2 : i32
        %eq3A_63 = arith.constant 0 : i32
        %eq3A_64 = arith.cmpi eq, %jit3A_62, %eq3A_63 : i32
        %jit3A_65 = arith.constant 1 : i32
        %select_n3A_66 = arith.select %eq3A_64, %jit3A_65, %jit3A_62 : i32
        %rem3A_67 = arith.remsi %scan3A_49, %select_n3A_66 : i32
        %ne3A_68 = arith.constant 0 : i32
        %ne3A_69 = arith.cmpi ne, %rem3A_67, %ne3A_68 : i32
        %lt3A_70 = arith.constant 0 : i32
        %lt3A_71 = arith.cmpi slt, %rem3A_67, %lt3A_70 : i32
        %lt3A_72 = arith.constant 0 : i32
        %lt3A_73 = arith.cmpi slt, %select_n3A_66, %lt3A_72 : i32
        %ne3A_74 = arith.xori %lt3A_71, %lt3A_73 : i1
        %and3A_75 = arith.andi %ne3A_74, %ne3A_69 : i1
        %add3A_76 = arith.addi %rem3A_67, %select_n3A_66 : i32
        %select_n3A_77 = arith.select %and3A_75, %add3A_76, %rem3A_67 : i32
        %eq3A_78 = arith.constant 1 : i32
        %eq3A_79 = arith.cmpi eq, %select_n3A_77, %eq3A_78 : i32
        %convert_element_type3A_80 = arith.extui %eq3A_79 : i1 to i32
        %cond3A_81 = arith.constant 0 : i32
        %cond3A_82 = arith.cmpi ne, %convert_element_type3A_80, %cond3A_81 : i32
        scf.if %cond3A_82 {
          %add3A_83 = arith.constant 1 : i32
          %add3A_84 = arith.addi %scan3A_49, %add3A_83 : i32
          %lt3A_85 = arith.constant 25 : i32
          %lt3A_86 = arith.cmpi slt, %add3A_84, %lt3A_85 : i32
          %convert_element_type3A_87 = arith.extui %lt3A_86 : i1 to i32
          %cond3A_88 = arith.constant 0 : i32
          %cond3A_89 = arith.cmpi ne, %convert_element_type3A_87, %cond3A_88 : i32
          scf.if %cond3A_89 {
            %add3A_95 = arith.constant 1 : i32
            %add3A_96 = arith.addi %scan3A_49, %add3A_95 : i32
            %dma_start3A_97 = arith.constant 0 : i32
            %dma_start3A_98 = tpu.memref_slice %arg4[%add3A_96, %dma_start3A_97] : memref<25x40xi32, #tpu.memory_space<vmem>> -> memref<1x40xi32, #tpu.memory_space<vmem>>
            %dma_start3A_99 = tpu.memref_squeeze %dma_start3A_98 : memref<1x40xi32, #tpu.memory_space<vmem>> -> memref<40xi32, #tpu.memory_space<vmem>>
            %dma_start3A_100 = arith.constant 0 : i32
            %dma_start3A_101 = arith.constant 0 : i32
            %dma_start3A_102 = tpu.memref_slice %arg8[%dma_start3A_100, %dma_start3A_101] : memref<10240x128xf32, #tpu.memory_space<vmem_shared>> -> memref<10240x128xf32, #tpu.memory_space<vmem_shared>>
            tpu.enqueue_indirect_dma source(%arg6 : memref<40x128xf32, #tpu.memory_space<vmem>>) target(%dma_start3A_102 : memref<10240x128xf32, #tpu.memory_space<vmem_shared>>) offsets(%dma_start3A_99 : memref<40xi32, #tpu.memory_space<vmem>>) semaphore(%arg9 : memref<!tpu.dma_semaphore, #tpu.memory_space<semaphore_mem>>) {add = true}
          } else {
          }
          %dma_wait3A = arith.constant 0 : i32
          %dma_wait3A_90 = tpu.memref_slice %arg4[%scan3A_49, %dma_wait3A] : memref<25x40xi32, #tpu.memory_space<vmem>> -> memref<1x40xi32, #tpu.memory_space<vmem>>
          %dma_wait3A_91 = tpu.memref_squeeze %dma_wait3A_90 : memref<1x40xi32, #tpu.memory_space<vmem>> -> memref<40xi32, #tpu.memory_space<vmem>>
          %dma_wait3A_92 = arith.constant 0 : i32
          %dma_wait3A_93 = arith.constant 0 : i32
          %dma_wait3A_94 = tpu.memref_slice %arg8[%dma_wait3A_92, %dma_wait3A_93] : memref<10240x128xf32, #tpu.memory_space<vmem_shared>> -> memref<10240x128xf32, #tpu.memory_space<vmem_shared>>
          tpu.wait_indirect_dma semaphore(%arg10 : memref<!tpu.dma_semaphore, #tpu.memory_space<semaphore_mem>>) src(%arg6 : memref<40x128xf32, #tpu.memory_space<vmem>>) dst(%dma_wait3A_94 : memref<10240x128xf32, #tpu.memory_space<vmem_shared>>)
        } else {
        }
      }
      %scan3A_48 = arith.constant 25 : i32
    }
    %scan3A_23 = arith.constant 5 : i32
    %barrier3A_24 = arith.constant 0 : index
    tpu.barrier barrier_id(%barrier3A_24)
    %scan3A_25 = arith.constant 0 : i32
    %scan3A_26 = arith.constant 0 : i32
    %scan3A_27 = arith.constant 8 : i32
    %scan3A_28 = arith.addi %scan3A_26, %scan3A_27 : i32
    %scan3A_29 = arith.constant 1 : i32
    scf.for %scan3A_31 = %scan3A_26 to %scan3A_28 step %scan3A_29  : i32 {
      %mul3A_32 = arith.constant 80 : i32
      %mul3A_33 = arith.muli %scan3A_31, %mul3A_32 : i32
      %add3A = arith.addi %mul3A_0, %mul3A_33 : i32
      %scan3A_34 = arith.constant 0 : i32
      %scan3A_35 = arith.constant 0 : i32
      %scan3A_36 = arith.constant 5 : i32
      %scan3A_37 = arith.addi %scan3A_35, %scan3A_36 : i32
      %scan3A_38 = arith.constant 1 : i32
      scf.for %scan3A_47 = %scan3A_35 to %scan3A_37 step %scan3A_38  : i32 {
        %mul3A_48 = arith.constant 16 : i32
        %mul3A_49 = arith.muli %scan3A_47, %mul3A_48 : i32
        %add3A_50 = arith.addi %add3A, %mul3A_49 : i32
        %iota3A = tpu.iota {dimensions = array<i32: 0>} : vector<16xi32>
        %add3A_51 = vector.broadcast %add3A_50 : i32 to vector<16xi32>
        %add3A_52 = arith.addi %add3A_51, %iota3A : vector<16xi32>
        %mul3A_53 = arith.constant 16 : i32
        %mul3A_54 = arith.muli %scan3A_47, %mul3A_53 : i32
        %swap3A = arith.index_cast %mul3A_54 : i32 to index
        %swap3A_55 = tpu.vector_load %arg7[%swap3A] {strides = array<i32>} : memref<80xi32, #tpu.memory_space<vmem>>, vector<16xi32>,
        %swap3A_56 = vector.shape_cast %swap3A_55 : vector<16xi32> to vector<16xi32>
        %swap3A_57 = vector.shape_cast %add3A_52 : vector<16xi32> to vector<16xi32>
        tpu.vector_store %arg7[%swap3A], %swap3A_57 {strides = array<i32>} : memref<80xi32, #tpu.memory_space<vmem>>, vector<16xi32>,
      }
      %scan3A_39 = arith.constant 5 : i32
      "tpu.region"() ({
        %run_scoped3A = tpu.sem_alloc : memref<!tpu.dma_semaphore, #tpu.memory_space<semaphore_mem>>
        %dma_start3A = arith.constant 0 : i32
        %dma_start3A_47 = arith.constant 0 : i32
        %dma_start3A_48 = tpu.memref_slice %arg8[%dma_start3A, %dma_start3A_47] : memref<10240x128xf32, #tpu.memory_space<vmem_shared>> -> memref<10240x128xf32, #tpu.memory_space<vmem_shared>>
        tpu.enqueue_indirect_dma source(%dma_start3A_48 : memref<10240x128xf32, #tpu.memory_space<vmem_shared>>) target(%arg5 : memref<80x128xf32, #tpu.memory_space<vmem>>) offsets(%arg7 : memref<80xi32, #tpu.memory_space<vmem>>) semaphore(%run_scoped3A : memref<!tpu.dma_semaphore, #tpu.memory_space<semaphore_mem>>)
        %dma_wait3A = arith.constant 0 : i32
        %dma_wait3A_49 = arith.constant 0 : i32
        %dma_wait3A_50 = tpu.memref_slice %arg8[%dma_wait3A, %dma_wait3A_49] : memref<10240x128xf32, #tpu.memory_space<vmem_shared>> -> memref<10240x128xf32, #tpu.memory_space<vmem_shared>>
        tpu.wait_indirect_dma semaphore(%run_scoped3A : memref<!tpu.dma_semaphore, #tpu.memory_space<semaphore_mem>>) src(%dma_wait3A_50 : memref<10240x128xf32, #tpu.memory_space<vmem_shared>>) dst(%arg5 : memref<80x128xf32, #tpu.memory_space<vmem>>)
        tpu.yield
      }) : () -> ()
      %eq3A = arith.constant 0 : i32
      %eq3A_40 = arith.cmpi eq, %arg0, %eq3A : i32
      %convert_element_type3A = arith.extui %eq3A_40 : i1 to i32
      %cond3A = arith.constant 0 : i32
      %cond3A_41 = arith.cmpi ne, %convert_element_type3A, %cond3A : i32
      scf.if %cond3A_41 {
        %run_scoped3A = arith.constant 0 : i32
        "tpu.region"() ({
          %run_scoped3A_47 = tpu.sem_alloc : memref<!tpu.dma_semaphore, #tpu.memory_space<semaphore_mem>>
          %dma_start3A = arith.constant 0 : i32
          %dma_start3A_48 = tpu.memref_slice %arg3[%run_scoped3A, %add3A, %dma_start3A] : memref<2x10240x128xf32, #tpu.memory_space<hbm>> -> memref<1x80x128xf32, #tpu.memory_space<hbm>>
          %dma_start3A_49 = tpu.memref_squeeze %dma_start3A_48 : memref<1x80x128xf32, #tpu.memory_space<hbm>> -> memref<80x128xf32, #tpu.memory_space<hbm>>
          %dma_start3A_50 = arith.constant 0 : i32
          %dma_start3A_51 = tpu.memref_slice %arg3[%run_scoped3A, %add3A, %dma_start3A_50] : memref<2x10240x128xf32, #tpu.memory_space<hbm>> -> memref<1x80x128xf32, #tpu.memory_space<hbm>>
          %dma_start3A_52 = tpu.memref_squeeze %dma_start3A_51 : memref<1x80x128xf32, #tpu.memory_space<hbm>> -> memref<80x128xf32, #tpu.memory_space<hbm>>
          tpu.enqueue_dma source(%arg5 : memref<80x128xf32, #tpu.memory_space<vmem>>) target(%dma_start3A_52 : memref<80x128xf32, #tpu.memory_space<hbm>>) target_semaphore(%run_scoped3A_47 : memref<!tpu.dma_semaphore, #tpu.memory_space<semaphore_mem>>)
          %dma_wait3A = arith.constant 0 : i32
          %dma_wait3A_53 = tpu.memref_slice %arg3[%run_scoped3A, %add3A, %dma_wait3A] : memref<2x10240x128xf32, #tpu.memory_space<hbm>> -> memref<1x80x128xf32, #tpu.memory_space<hbm>>
          %dma_wait3A_54 = tpu.memref_squeeze %dma_wait3A_53 : memref<1x80x128xf32, #tpu.memory_space<hbm>> -> memref<80x128xf32, #tpu.memory_space<hbm>>
          %dma_wait3A_55 = arith.constant 0 : i32
          %dma_wait3A_56 = tpu.memref_slice %arg3[%run_scoped3A, %add3A, %dma_wait3A_55] : memref<2x10240x128xf32, #tpu.memory_space<hbm>> -> memref<1x80x128xf32, #tpu.memory_space<hbm>>
          %dma_wait3A_57 = tpu.memref_squeeze %dma_wait3A_56 : memref<1x80x128xf32, #tpu.memory_space<hbm>> -> memref<80x128xf32, #tpu.memory_space<hbm>>
          tpu.wait_dma2 semaphore(%run_scoped3A_47 : memref<!tpu.dma_semaphore, #tpu.memory_space<semaphore_mem>>) src(%arg5 : memref<80x128xf32, #tpu.memory_space<vmem>>) dst(%dma_wait3A_57 : memref<80x128xf32, #tpu.memory_space<hbm>>)
          tpu.yield
        }) : () -> ()
      } else {
      }
      %eq3A_42 = arith.constant 1 : i32
      %eq3A_43 = arith.cmpi eq, %arg0, %eq3A_42 : i32
      %convert_element_type3A_44 = arith.extui %eq3A_43 : i1 to i32
      %cond3A_45 = arith.constant 0 : i32
      %cond3A_46 = arith.cmpi ne, %convert_element_type3A_44, %cond3A_45 : i32
      scf.if %cond3A_46 {
        %run_scoped3A = arith.constant 1 : i32
        "tpu.region"() ({
          %run_scoped3A_47 = tpu.sem_alloc : memref<!tpu.dma_semaphore, #tpu.memory_space<semaphore_mem>>
          %dma_start3A = arith.constant 0 : i32
          %dma_start3A_48 = tpu.memref_slice %arg3[%run_scoped3A, %add3A, %dma_start3A] : memref<2x10240x128xf32, #tpu.memory_space<hbm>> -> memref<1x80x128xf32, #tpu.memory_space<hbm>>
          %dma_start3A_49 = tpu.memref_squeeze %dma_start3A_48 : memref<1x80x128xf32, #tpu.memory_space<hbm>> -> memref<80x128xf32, #tpu.memory_space<hbm>>
          %dma_start3A_50 = arith.constant 0 : i32
          %dma_start3A_51 = tpu.memref_slice %arg3[%run_scoped3A, %add3A, %dma_start3A_50] : memref<2x10240x128xf32, #tpu.memory_space<hbm>> -> memref<1x80x128xf32, #tpu.memory_space<hbm>>
          %dma_start3A_52 = tpu.memref_squeeze %dma_start3A_51 : memref<1x80x128xf32, #tpu.memory_space<hbm>> -> memref<80x128xf32, #tpu.memory_space<hbm>>
          tpu.enqueue_dma source(%arg5 : memref<80x128xf32, #tpu.memory_space<vmem>>) target(%dma_start3A_52 : memref<80x128xf32, #tpu.memory_space<hbm>>) target_semaphore(%run_scoped3A_47 : memref<!tpu.dma_semaphore, #tpu.memory_space<semaphore_mem>>)
          %dma_wait3A = arith.constant 0 : i32
          %dma_wait3A_53 = tpu.memref_slice %arg3[%run_scoped3A, %add3A, %dma_wait3A] : memref<2x10240x128xf32, #tpu.memory_space<hbm>> -> memref<1x80x128xf32, #tpu.memory_space<hbm>>
          %dma_wait3A_54 = tpu.memref_squeeze %dma_wait3A_53 : memref<1x80x128xf32, #tpu.memory_space<hbm>> -> memref<80x128xf32, #tpu.memory_space<hbm>>
          %dma_wait3A_55 = arith.constant 0 : i32
          %dma_wait3A_56 = tpu.memref_slice %arg3[%run_scoped3A, %add3A, %dma_wait3A_55] : memref<2x10240x128xf32, #tpu.memory_space<hbm>> -> memref<1x80x128xf32, #tpu.memory_space<hbm>>
          %dma_wait3A_57 = tpu.memref_squeeze %dma_wait3A_56 : memref<1x80x128xf32, #tpu.memory_space<hbm>> -> memref<80x128xf32, #tpu.memory_space<hbm>>
          tpu.wait_dma2 semaphore(%run_scoped3A_47 : memref<!tpu.dma_semaphore, #tpu.memory_space<semaphore_mem>>) src(%arg5 : memref<80x128xf32, #tpu.memory_space<vmem>>) dst(%dma_wait3A_57 : memref<80x128xf32, #tpu.memory_space<hbm>>)
          tpu.yield
        }) : () -> ()
      } else {
      }
    }
    %scan3A_30 = arith.constant 8 : i32
    return
  }
}

module attributes {stable_mosaic.version = 14 : i64} {
  func.func @_stats_body(%arg0: i32, %arg1: memref<2048x256xf32, #tpu.memory_space<vmem>>, %arg2: memref<8x2048xf32, #tpu.memory_space<vmem>>, %arg3: memref<1x256xf32, #tpu.memory_space<vmem>>, %arg4: memref<1x256xf32, #tpu.memory_space<vmem>>, %arg5: memref<1x256xf32, #tpu.memory_space<vmem>>, %arg6: memref<8x256xf32, #tpu.memory_space<vmem>>, %arg7: memref<8x256xf32, #tpu.memory_space<vmem>>, %arg8: memref<8x256xf32, #tpu.memory_space<vmem>>, %arg9: memref<8x256xf32, #tpu.memory_space<vmem>>, %arg10: memref<8x128xf32, #tpu.memory_space<vmem>>) attributes {dimension_semantics = [#tpu.dimension_semantics<arbitrary>], iteration_bounds = array<i64: 5>, scalar_prefetch = 0 : i64, scratch_operands = 3 : i64, tpu.core_type = #tpu.core_type<tc>, window_params = [{transform_indices = @transform_0, window_bounds = array<i64: 2048, 256>}, {transform_indices = @transform_1, window_bounds = array<i64: 8, 2048>}, {pipeline_mode = #tpu.pipeline_mode<synchronous>, transform_indices = @transform_2, window_bounds = array<i64: 1, 256>}, {pipeline_mode = #tpu.pipeline_mode<synchronous>, transform_indices = @transform_3, window_bounds = array<i64: 1, 256>}, {pipeline_mode = #tpu.pipeline_mode<synchronous>, transform_indices = @transform_4, window_bounds = array<i64: 1, 256>}, {pipeline_mode = #tpu.pipeline_mode<synchronous>, transform_indices = @transform_5, window_bounds = array<i64: 8, 256>}, {pipeline_mode = #tpu.pipeline_mode<synchronous>, transform_indices = @transform_6, window_bounds = array<i64: 8, 256>}]} {
    %eq3A = arith.constant 0 : i32
    %eq3A_0 = arith.cmpi eq, %arg0, %eq3A : i32
    %convert_element_type3A = arith.extui %eq3A_0 : i1 to i32
    %cond3A = arith.constant 0 : i32
    %cond3A_1 = arith.cmpi ne, %convert_element_type3A, %cond3A : i32
    scf.if %cond3A_1 {
      %broadcast_in_dim3A_37 = arith.constant 0.000000e+00 : f32
      %broadcast_in_dim3A_38 = vector.broadcast %broadcast_in_dim3A_37 : f32 to vector<8x256xf32>
      %swap3A_39 = arith.constant 0 : index
      %swap3A_40 = arith.constant 0 : index
      %swap3A_41 = vector.load %arg8[%swap3A_39, %swap3A_40] : memref<8x256xf32, #tpu.memory_space<vmem>>, vector<8x256xf32>
      tpu.vector_store %arg8[%swap3A_39, %swap3A_40], %broadcast_in_dim3A_38 {strides = array<i32>} : memref<8x256xf32, #tpu.memory_space<vmem>>, vector<8x256xf32>,
      %broadcast_in_dim3A_42 = arith.constant 0.000000e+00 : f32
      %broadcast_in_dim3A_43 = vector.broadcast %broadcast_in_dim3A_42 : f32 to vector<8x256xf32>
      %swap3A_44 = arith.constant 0 : index
      %swap3A_45 = arith.constant 0 : index
      %swap3A_46 = vector.load %arg9[%swap3A_44, %swap3A_45] : memref<8x256xf32, #tpu.memory_space<vmem>>, vector<8x256xf32>
      tpu.vector_store %arg9[%swap3A_44, %swap3A_45], %broadcast_in_dim3A_43 {strides = array<i32>} : memref<8x256xf32, #tpu.memory_space<vmem>>, vector<8x256xf32>,
      %broadcast_in_dim3A_47 = arith.constant 0.000000e+00 : f32
      %broadcast_in_dim3A_48 = vector.broadcast %broadcast_in_dim3A_47 : f32 to vector<8x128xf32>
      %swap3A_49 = arith.constant 0 : index
      %swap3A_50 = arith.constant 0 : index
      %swap3A_51 = vector.load %arg10[%swap3A_49, %swap3A_50] : memref<8x128xf32, #tpu.memory_space<vmem>>, vector<8x128xf32>
      tpu.vector_store %arg10[%swap3A_49, %swap3A_50], %broadcast_in_dim3A_48 {strides = array<i32>} : memref<8x128xf32, #tpu.memory_space<vmem>>, vector<8x128xf32>,
    } else {
    }
    %get3A = arith.constant 0 : index
    %get3A_2 = arith.constant 0 : index
    %get3A_3 = vector.load %arg2[%get3A, %get3A_2] : memref<8x2048xf32, #tpu.memory_space<vmem>>, vector<8x2048xf32>
    %get3A_4 = arith.constant 0 : index
    %get3A_5 = arith.constant 0 : index
    %get3A_6 = vector.load %arg1[%get3A_4, %get3A_5] : memref<2048x256xf32, #tpu.memory_space<vmem>>, vector<2048x256xf32>
    %get3A_7 = arith.constant 0 : index
    %get3A_8 = arith.constant 0 : index
    %get3A_9 = vector.load %arg8[%get3A_7, %get3A_8] : memref<8x256xf32, #tpu.memory_space<vmem>>, vector<8x256xf32>
    %dot_general3A = arith.constant dense<0.000000e+00> : vector<8x256xf32>
    %dot_general3A_10 = tpu.matmul %get3A_3, %get3A_6, %dot_general3A {dimension_numbers = #tpu.dot_dimension_numbers<[1], [0], [0], [1], [0, 0, 1, 1], [], []>, transpose_lhs_hint = false} : vector<8x2048xf32>, vector<2048x256xf32>, vector<8x256xf32> -> vector<8x256xf32>
    %add3A = arith.addf %get3A_9, %dot_general3A_10 : vector<8x256xf32>
    %swap3A = arith.constant 0 : index
    %swap3A_11 = arith.constant 0 : index
    %swap3A_12 = vector.load %arg8[%swap3A, %swap3A_11] : memref<8x256xf32, #tpu.memory_space<vmem>>, vector<8x256xf32>
    tpu.vector_store %arg8[%swap3A, %swap3A_11], %add3A {strides = array<i32>} : memref<8x256xf32, #tpu.memory_space<vmem>>, vector<8x256xf32>,
    %get3A_13 = arith.constant 0 : index
    %get3A_14 = arith.constant 0 : index
    %get3A_15 = vector.load %arg9[%get3A_13, %get3A_14] : memref<8x256xf32, #tpu.memory_space<vmem>>, vector<8x256xf32>
    %mul3A = arith.mulf %get3A_6, %get3A_6 : vector<2048x256xf32>
    %dot_general3A_16 = arith.constant dense<0.000000e+00> : vector<8x256xf32>
    %dot_general3A_17 = tpu.matmul %get3A_3, %mul3A, %dot_general3A_16 {dimension_numbers = #tpu.dot_dimension_numbers<[1], [0], [0], [1], [0, 0, 1, 1], [], []>, transpose_lhs_hint = false} : vector<8x2048xf32>, vector<2048x256xf32>, vector<8x256xf32> -> vector<8x256xf32>
    %add3A_18 = arith.addf %get3A_15, %dot_general3A_17 : vector<8x256xf32>
    %swap3A_19 = arith.constant 0 : index
    %swap3A_20 = arith.constant 0 : index
    %swap3A_21 = vector.load %arg9[%swap3A_19, %swap3A_20] : memref<8x256xf32, #tpu.memory_space<vmem>>, vector<8x256xf32>
    tpu.vector_store %arg9[%swap3A_19, %swap3A_20], %add3A_18 {strides = array<i32>} : memref<8x256xf32, #tpu.memory_space<vmem>>, vector<8x256xf32>,
    %get3A_22 = arith.constant 0 : index
    %get3A_23 = arith.constant 0 : index
    %get3A_24 = vector.load %arg10[%get3A_22, %get3A_23] : memref<8x128xf32, #tpu.memory_space<vmem>>, vector<8x128xf32>
    %reduce_sum3A = arith.constant dense<0.000000e+00> : vector<8xf32>
    %reduce_sum3A_25 = vector.multi_reduction <add>, %get3A_3, %reduce_sum3A [1] : vector<8x2048xf32> to vector<8xf32>
    %broadcast_in_dim3A = vector.shape_cast %reduce_sum3A_25 : vector<8xf32> to vector<8x1xf32>
    %broadcast_in_dim3A_26 = vector.shape_cast %broadcast_in_dim3A : vector<8x1xf32> to vector<8x1xf32>
    %broadcast_in_dim3A_27 = vector.broadcast %broadcast_in_dim3A_26 : vector<8x1xf32> to vector<8x128xf32>
    %add3A_28 = arith.addf %get3A_24, %broadcast_in_dim3A_27 : vector<8x128xf32>
    %swap3A_29 = arith.constant 0 : index
    %swap3A_30 = arith.constant 0 : index
    %swap3A_31 = vector.load %arg10[%swap3A_29, %swap3A_30] : memref<8x128xf32, #tpu.memory_space<vmem>>, vector<8x128xf32>
    tpu.vector_store %arg10[%swap3A_29, %swap3A_30], %add3A_28 {strides = array<i32>} : memref<8x128xf32, #tpu.memory_space<vmem>>, vector<8x128xf32>,
    %eq3A_32 = arith.constant 4 : i32
    %eq3A_33 = arith.cmpi eq, %arg0, %eq3A_32 : i32
    %convert_element_type3A_34 = arith.extui %eq3A_33 : i1 to i32
    %cond3A_35 = arith.constant 0 : i32
    %cond3A_36 = arith.cmpi ne, %convert_element_type3A_34, %cond3A_35 : i32
    scf.if %cond3A_36 {
      %get3A_37 = arith.constant 0 : index
      %get3A_38 = arith.constant 0 : index
      %get3A_39 = vector.load %arg10[%get3A_37, %get3A_38] : memref<8x128xf32, #tpu.memory_space<vmem>>, vector<8x1xf32>
      %max3A = arith.constant 1.000000e+00 : f32
      %max3A_40 = vector.broadcast %max3A : f32 to vector<8x1xf32>
      %max3A_41 = arith.maximumf %get3A_39, %max3A_40 : vector<8x1xf32>
      %div3A = arith.constant 1.000000e+00 : f32
      %div3A_42 = vector.broadcast %div3A : f32 to vector<8x1xf32>
      %div3A_43 = arith.divf %div3A_42, %max3A_41 : vector<8x1xf32>
      %get3A_44 = arith.constant 0 : index
      %get3A_45 = arith.constant 0 : index
      %get3A_46 = vector.load %arg8[%get3A_44, %get3A_45] : memref<8x256xf32, #tpu.memory_space<vmem>>, vector<8x256xf32>
      %mul3A_47 = vector.broadcast %div3A_43 : vector<8x1xf32> to vector<8x256xf32>
      %mul3A_48 = arith.mulf %get3A_46, %mul3A_47 : vector<8x256xf32>
      %get3A_49 = arith.constant 0 : index
      %get3A_50 = arith.constant 0 : index
      %get3A_51 = vector.load %arg9[%get3A_49, %get3A_50] : memref<8x256xf32, #tpu.memory_space<vmem>>, vector<8x256xf32>
      %mul3A_52 = vector.broadcast %div3A_43 : vector<8x1xf32> to vector<8x256xf32>
      %mul3A_53 = arith.mulf %get3A_51, %mul3A_52 : vector<8x256xf32>
      %get3A_54 = arith.constant 0 : index
      %get3A_55 = arith.constant 0 : index
      %get3A_56 = vector.load %arg5[%get3A_54, %get3A_55] : memref<1x256xf32, #tpu.memory_space<vmem>>, vector<1x256xf32>
      %mul3A_57 = arith.mulf %mul3A_48, %mul3A_48 : vector<8x256xf32>
      %mul3A_58 = vector.broadcast %get3A_56 : vector<1x256xf32> to vector<8x256xf32>
      %mul3A_59 = arith.mulf %mul3A_57, %mul3A_58 : vector<8x256xf32>
      %sub3A = arith.constant 2.000000e+00 : f32
      %sub3A_60 = vector.broadcast %sub3A : f32 to vector<1x256xf32>
      %sub3A_61 = arith.subf %get3A_56, %sub3A_60 : vector<1x256xf32>
      %mul3A_62 = vector.broadcast %sub3A_61 : vector<1x256xf32> to vector<8x256xf32>
      %mul3A_63 = arith.mulf %mul3A_59, %mul3A_62 : vector<8x256xf32>
      %add3A_64 = arith.addf %mul3A_53, %mul3A_63 : vector<8x256xf32>
      %get3A_65 = arith.constant 0 : index
      %get3A_66 = arith.constant 0 : index
      %get3A_67 = vector.load %arg3[%get3A_65, %get3A_66] : memref<1x256xf32, #tpu.memory_space<vmem>>, vector<1x256xf32>
      %add3A_68 = arith.constant 9.99999974E-6 : f32
      %add3A_69 = vector.broadcast %add3A_68 : f32 to vector<8x256xf32>
      %add3A_70 = arith.addf %add3A_64, %add3A_69 : vector<8x256xf32>
      %rsqrt3A = math.rsqrt %add3A_70 : vector<8x256xf32>
      %mul3A_71 = vector.broadcast %get3A_67 : vector<1x256xf32> to vector<8x256xf32>
      %mul3A_72 = arith.mulf %mul3A_71, %rsqrt3A : vector<8x256xf32>
      %swap3A_73 = arith.constant 0 : index
      %swap3A_74 = arith.constant 0 : index
      %swap3A_75 = vector.load %arg6[%swap3A_73, %swap3A_74] : memref<8x256xf32, #tpu.memory_space<vmem>>, vector<8x256xf32>
      tpu.vector_store %arg6[%swap3A_73, %swap3A_74], %mul3A_72 {strides = array<i32>} : memref<8x256xf32, #tpu.memory_space<vmem>>, vector<8x256xf32>,
      %get3A_76 = arith.constant 0 : index
      %get3A_77 = arith.constant 0 : index
      %get3A_78 = vector.load %arg4[%get3A_76, %get3A_77] : memref<1x256xf32, #tpu.memory_space<vmem>>, vector<1x256xf32>
      %mul3A_79 = vector.broadcast %get3A_56 : vector<1x256xf32> to vector<8x256xf32>
      %mul3A_80 = arith.mulf %mul3A_48, %mul3A_79 : vector<8x256xf32>
      %mul3A_81 = arith.mulf %mul3A_80, %mul3A_72 : vector<8x256xf32>
      %sub3A_82 = vector.broadcast %get3A_78 : vector<1x256xf32> to vector<8x256xf32>
      %sub3A_83 = arith.subf %sub3A_82, %mul3A_81 : vector<8x256xf32>
      %swap3A_84 = arith.constant 0 : index
      %swap3A_85 = arith.constant 0 : index
      %swap3A_86 = vector.load %arg7[%swap3A_84, %swap3A_85] : memref<8x256xf32, #tpu.memory_space<vmem>>, vector<8x256xf32>
      tpu.vector_store %arg7[%swap3A_84, %swap3A_85], %sub3A_83 {strides = array<i32>} : memref<8x256xf32, #tpu.memory_space<vmem>>, vector<8x256xf32>,
    } else {
    }
    return
  }
  func.func @transform_0(%arg0: i32) -> (i32, i32) {
    %c0_i32 = arith.constant 0 : i32
    %c0_i32_0 = arith.constant 0 : i32
    return %arg0, %c0_i32 : i32, i32
  }
  func.func @transform_1(%arg0: i32) -> (i32, i32) {
    %c0_i32 = arith.constant 0 : i32
    %c0_i32_0 = arith.constant 0 : i32
    return %c0_i32, %arg0 : i32, i32
  }
  func.func @transform_2(%arg0: i32) -> (i32, i32) {
    %c0_i32 = arith.constant 0 : i32
    %c0_i32_0 = arith.constant 0 : i32
    %c0_i32_1 = arith.constant 0 : i32
    return %c0_i32, %c0_i32_0 : i32, i32
  }
  func.func @transform_3(%arg0: i32) -> (i32, i32) {
    %c0_i32 = arith.constant 0 : i32
    %c0_i32_0 = arith.constant 0 : i32
    %c0_i32_1 = arith.constant 0 : i32
    return %c0_i32, %c0_i32_0 : i32, i32
  }
  func.func @transform_4(%arg0: i32) -> (i32, i32) {
    %c0_i32 = arith.constant 0 : i32
    %c0_i32_0 = arith.constant 0 : i32
    %c0_i32_1 = arith.constant 0 : i32
    return %c0_i32, %c0_i32_0 : i32, i32
  }
  func.func @transform_5(%arg0: i32) -> (i32, i32) {
    %c0_i32 = arith.constant 0 : i32
    %c0_i32_0 = arith.constant 0 : i32
    %c0_i32_1 = arith.constant 0 : i32
    return %c0_i32, %c0_i32_0 : i32, i32
  }
  func.func @transform_6(%arg0: i32) -> (i32, i32) {
    %c0_i32 = arith.constant 0 : i32
    %c0_i32_0 = arith.constant 0 : i32
    %c0_i32_1 = arith.constant 0 : i32
    return %c0_i32, %c0_i32_0 : i32, i32
  }
}

module attributes {stable_mosaic.version = 14 : i64} {
  func.func @_proj_body(%arg0: i32, %arg1: memref<2048x256xf32, #tpu.memory_space<vmem>>, %arg2: memref<8x2048xf32, #tpu.memory_space<vmem>>, %arg3: memref<8x256xf32, #tpu.memory_space<vmem>>, %arg4: memref<8x256xf32, #tpu.memory_space<vmem>>, %arg5: memref<256x256xf32, #tpu.memory_space<vmem>>, %arg6: memref<256x256xf32, #tpu.memory_space<vmem>>, %arg7: memref<1x256xf32, #tpu.memory_space<vmem>>, %arg8: memref<2048x128xf32, #tpu.memory_space<vmem>>, %arg9: memref<2048x128xf32, #tpu.memory_space<vmem>>, %arg10: memref<2048x256xf32, #tpu.memory_space<vmem>>) attributes {dimension_semantics = [#tpu.dimension_semantics<arbitrary>], iteration_bounds = array<i64: 5>, scalar_prefetch = 0 : i64, scratch_operands = 0 : i64, tpu.core_type = #tpu.core_type<tc>, window_params = [{transform_indices = @transform_0, window_bounds = array<i64: 2048, 256>}, {transform_indices = @transform_1, window_bounds = array<i64: 8, 2048>}, {pipeline_mode = #tpu.pipeline_mode<synchronous>, transform_indices = @transform_2, window_bounds = array<i64: 8, 256>}, {pipeline_mode = #tpu.pipeline_mode<synchronous>, transform_indices = @transform_3, window_bounds = array<i64: 8, 256>}, {pipeline_mode = #tpu.pipeline_mode<synchronous>, transform_indices = @transform_4, window_bounds = array<i64: 256, 256>}, {pipeline_mode = #tpu.pipeline_mode<synchronous>, transform_indices = @transform_5, window_bounds = array<i64: 256, 256>}, {pipeline_mode = #tpu.pipeline_mode<synchronous>, transform_indices = @transform_6, window_bounds = array<i64: 1, 256>}, {transform_indices = @transform_7, window_bounds = array<i64: 2048, 128>}, {transform_indices = @transform_8, window_bounds = array<i64: 2048, 128>}, {transform_indices = @transform_9, window_bounds = array<i64: 2048, 256>}]} {
    %get3A = arith.constant 0 : index
    %get3A_0 = arith.constant 0 : index
    %get3A_1 = vector.load %arg2[%get3A, %get3A_0] : memref<8x2048xf32, #tpu.memory_space<vmem>>, vector<8x2048xf32>
    %get3A_2 = arith.constant 0 : index
    %get3A_3 = arith.constant 0 : index
    %get3A_4 = vector.load %arg3[%get3A_2, %get3A_3] : memref<8x256xf32, #tpu.memory_space<vmem>>, vector<8x256xf32>
    %dot_general3A = arith.constant dense<0.000000e+00> : vector<2048x256xf32>
    %dot_general3A_5 = tpu.matmul %get3A_1, %get3A_4, %dot_general3A {dimension_numbers = #tpu.dot_dimension_numbers<[0], [0], [1], [1], [0, 1, 1, 1], [], []>, transpose_lhs_hint = false} : vector<8x2048xf32>, vector<8x256xf32>, vector<2048x256xf32> -> vector<2048x256xf32>
    %get3A_6 = arith.constant 0 : index
    %get3A_7 = arith.constant 0 : index
    %get3A_8 = vector.load %arg4[%get3A_6, %get3A_7] : memref<8x256xf32, #tpu.memory_space<vmem>>, vector<8x256xf32>
    %dot_general3A_9 = arith.constant dense<0.000000e+00> : vector<2048x256xf32>
    %dot_general3A_10 = tpu.matmul %get3A_1, %get3A_8, %dot_general3A_9 {dimension_numbers = #tpu.dot_dimension_numbers<[0], [0], [1], [1], [0, 1, 1, 1], [], []>, transpose_lhs_hint = false} : vector<8x2048xf32>, vector<8x256xf32>, vector<2048x256xf32> -> vector<2048x256xf32>
    %get3A_11 = arith.constant 0 : index
    %get3A_12 = arith.constant 0 : index
    %get3A_13 = vector.load %arg1[%get3A_11, %get3A_12] : memref<2048x256xf32, #tpu.memory_space<vmem>>, vector<2048x256xf32>
    %mul3A = arith.mulf %get3A_13, %dot_general3A_5 : vector<2048x256xf32>
    %add3A = arith.addf %mul3A, %dot_general3A_10 : vector<2048x256xf32>
    %get3A_14 = arith.constant 0 : index
    %get3A_15 = arith.constant 0 : index
    %get3A_16 = vector.load %arg5[%get3A_14, %get3A_15] : memref<256x256xf32, #tpu.memory_space<vmem>>, vector<256x256xf32>
    %dot_general3A_17 = arith.constant dense<0.000000e+00> : vector<2048x256xf32>
    %dot_general3A_18 = tpu.matmul %add3A, %get3A_16, %dot_general3A_17 {dimension_numbers = #tpu.dot_dimension_numbers<[1], [0], [0], [1], [0, 0, 1, 1], [], []>, transpose_lhs_hint = false} : vector<2048x256xf32>, vector<256x256xf32>, vector<2048x256xf32> -> vector<2048x256xf32>
    %slice3A = vector.extract_strided_slice %dot_general3A_18 {offsets = [0, 0], sizes = [2048, 128], strides = [1, 1]} : vector<2048x256xf32> to vector<2048x128xf32>
    %swap3A = arith.constant 0 : index
    %swap3A_19 = arith.constant 0 : index
    %swap3A_20 = vector.load %arg8[%swap3A, %swap3A_19] : memref<2048x128xf32, #tpu.memory_space<vmem>>, vector<2048x128xf32>
    tpu.vector_store %arg8[%swap3A, %swap3A_19], %slice3A {strides = array<i32>} : memref<2048x128xf32, #tpu.memory_space<vmem>>, vector<2048x128xf32>,
    %slice3A_21 = vector.extract_strided_slice %dot_general3A_18 {offsets = [0, 128], sizes = [2048, 128], strides = [1, 1]} : vector<2048x256xf32> to vector<2048x128xf32>
    %swap3A_22 = arith.constant 0 : index
    %swap3A_23 = arith.constant 0 : index
    %swap3A_24 = vector.load %arg9[%swap3A_22, %swap3A_23] : memref<2048x128xf32, #tpu.memory_space<vmem>>, vector<2048x128xf32>
    tpu.vector_store %arg9[%swap3A_22, %swap3A_23], %slice3A_21 {strides = array<i32>} : memref<2048x128xf32, #tpu.memory_space<vmem>>, vector<2048x128xf32>,
    %get3A_25 = arith.constant 0 : index
    %get3A_26 = arith.constant 0 : index
    %get3A_27 = vector.load %arg6[%get3A_25, %get3A_26] : memref<256x256xf32, #tpu.memory_space<vmem>>, vector<256x256xf32>
    %dot_general3A_28 = arith.constant dense<0.000000e+00> : vector<2048x256xf32>
    %dot_general3A_29 = tpu.matmul %add3A, %get3A_27, %dot_general3A_28 {dimension_numbers = #tpu.dot_dimension_numbers<[1], [0], [0], [1], [0, 0, 1, 1], [], []>, transpose_lhs_hint = false} : vector<2048x256xf32>, vector<256x256xf32>, vector<2048x256xf32> -> vector<2048x256xf32>
    %get3A_30 = arith.constant 0 : index
    %get3A_31 = arith.constant 0 : index
    %get3A_32 = vector.load %arg7[%get3A_30, %get3A_31] : memref<1x256xf32, #tpu.memory_space<vmem>>, vector<1x256xf32>
    %add3A_33 = vector.broadcast %get3A_32 : vector<1x256xf32> to vector<2048x256xf32>
    %add3A_34 = arith.addf %dot_general3A_29, %add3A_33 : vector<2048x256xf32>
    %swap3A_35 = arith.constant 0 : index
    %swap3A_36 = arith.constant 0 : index
    %swap3A_37 = vector.load %arg10[%swap3A_35, %swap3A_36] : memref<2048x256xf32, #tpu.memory_space<vmem>>, vector<2048x256xf32>
    tpu.vector_store %arg10[%swap3A_35, %swap3A_36], %add3A_34 {strides = array<i32>} : memref<2048x256xf32, #tpu.memory_space<vmem>>, vector<2048x256xf32>,
    return
  }
  func.func @transform_0(%arg0: i32) -> (i32, i32) {
    %c0_i32 = arith.constant 0 : i32
    %c0_i32_0 = arith.constant 0 : i32
    return %arg0, %c0_i32 : i32, i32
  }
  func.func @transform_1(%arg0: i32) -> (i32, i32) {
    %c0_i32 = arith.constant 0 : i32
    %c0_i32_0 = arith.constant 0 : i32
    return %c0_i32, %arg0 : i32, i32
  }
  func.func @transform_2(%arg0: i32) -> (i32, i32) {
    %c0_i32 = arith.constant 0 : i32
    %c0_i32_0 = arith.constant 0 : i32
    %c0_i32_1 = arith.constant 0 : i32
    return %c0_i32, %c0_i32_0 : i32, i32
  }
  func.func @transform_3(%arg0: i32) -> (i32, i32) {
    %c0_i32 = arith.constant 0 : i32
    %c0_i32_0 = arith.constant 0 : i32
    %c0_i32_1 = arith.constant 0 : i32
    return %c0_i32, %c0_i32_0 : i32, i32
  }
  func.func @transform_4(%arg0: i32) -> (i32, i32) {
    %c0_i32 = arith.constant 0 : i32
    %c0_i32_0 = arith.constant 0 : i32
    %c0_i32_1 = arith.constant 0 : i32
    return %c0_i32, %c0_i32_0 : i32, i32
  }
  func.func @transform_5(%arg0: i32) -> (i32, i32) {
    %c0_i32 = arith.constant 0 : i32
    %c0_i32_0 = arith.constant 0 : i32
    %c0_i32_1 = arith.constant 0 : i32
    return %c0_i32, %c0_i32_0 : i32, i32
  }
  func.func @transform_6(%arg0: i32) -> (i32, i32) {
    %c0_i32 = arith.constant 0 : i32
    %c0_i32_0 = arith.constant 0 : i32
    %c0_i32_1 = arith.constant 0 : i32
    return %c0_i32, %c0_i32_0 : i32, i32
  }
  func.func @transform_7(%arg0: i32) -> (i32, i32) {
    %c0_i32 = arith.constant 0 : i32
    %c0_i32_0 = arith.constant 0 : i32
    return %arg0, %c0_i32 : i32, i32
  }
  func.func @transform_8(%arg0: i32) -> (i32, i32) {
    %c0_i32 = arith.constant 0 : i32
    %c0_i32_0 = arith.constant 0 : i32
    return %arg0, %c0_i32 : i32, i32
  }
  func.func @transform_9(%arg0: i32) -> (i32, i32) {
    %c0_i32 = arith.constant 0 : i32
    %c0_i32_0 = arith.constant 0 : i32
    return %arg0, %c0_i32 : i32, i32
  }
}

module attributes {stable_mosaic.version = 14 : i64} {
  func.func @_fuse_body(%arg0: i32, %arg1: i32, %arg2: memref<2048x256xf32, #tpu.memory_space<vmem>>, %arg3: memref<2048x128xf32, #tpu.memory_space<vmem>>, %arg4: memref<2048x128xf32, #tpu.memory_space<vmem>>, %arg5: memref<2x2048x128xf32, #tpu.memory_space<vmem>>, %arg6: memref<2048x256xf32, #tpu.memory_space<vmem>>, %arg7: memref<8x2048xf32, #tpu.memory_space<vmem>>, %arg8: memref<1x256xf32, #tpu.memory_space<vmem>>, %arg9: memref<1x256xf32, #tpu.memory_space<vmem>>, %arg10: memref<1x256xf32, #tpu.memory_space<vmem>>, %arg11: memref<2048x256xf32, #tpu.memory_space<vmem>>, %arg12: memref<8x256xf32, #tpu.memory_space<vmem>>, %arg13: memref<8x256xf32, #tpu.memory_space<vmem>>, %arg14: memref<8x128xf32, #tpu.memory_space<vmem>>, %arg15: memref<10240x256xf32, #tpu.memory_space<vmem>>, %arg16: memref<8x256xf32, #tpu.memory_space<vmem>>, %arg17: memref<8x256xf32, #tpu.memory_space<vmem>>) attributes {dimension_semantics = [#tpu.dimension_semantics<arbitrary>, #tpu.dimension_semantics<arbitrary>], iteration_bounds = array<i64: 2, 5>, scalar_prefetch = 0 : i64, scratch_operands = 6 : i64, tpu.core_type = #tpu.core_type<tc>, window_params = [{transform_indices = @transform_0, window_bounds = array<i64: 2048, 256>}, {transform_indices = @transform_1, window_bounds = array<i64: 2048, 128>}, {transform_indices = @transform_2, window_bounds = array<i64: 2048, 128>}, {transform_indices = @transform_3, window_bounds = array<i64: 2, 2048, 128>}, {transform_indices = @transform_4, window_bounds = array<i64: 2048, 256>}, {transform_indices = @transform_5, window_bounds = array<i64: 8, 2048>}, {pipeline_mode = #tpu.pipeline_mode<synchronous>, transform_indices = @transform_6, window_bounds = array<i64: 1, 256>}, {pipeline_mode = #tpu.pipeline_mode<synchronous>, transform_indices = @transform_7, window_bounds = array<i64: 1, 256>}, {pipeline_mode = #tpu.pipeline_mode<synchronous>, transform_indices = @transform_8, window_bounds = array<i64: 1, 256>}, {transform_indices = @transform_9, window_bounds = array<i64: 2048, 256>}]} {
    %eq3A = arith.constant 0 : i32
    %eq3A_0 = arith.cmpi eq, %arg0, %eq3A : i32
    %eq3A_1 = arith.constant 0 : i32
    %eq3A_2 = arith.cmpi eq, %arg1, %eq3A_1 : i32
    %and3A = arith.andi %eq3A_0, %eq3A_2 : i1
    %convert_element_type3A = arith.extui %and3A : i1 to i32
    %cond3A = arith.constant 0 : i32
    %cond3A_3 = arith.cmpi ne, %convert_element_type3A, %cond3A : i32
    scf.if %cond3A_3 {
      %broadcast_in_dim3A = arith.constant 0.000000e+00 : f32
      %broadcast_in_dim3A_14 = vector.broadcast %broadcast_in_dim3A : f32 to vector<8x256xf32>
      %swap3A = arith.constant 0 : index
      %swap3A_15 = arith.constant 0 : index
      %swap3A_16 = vector.load %arg12[%swap3A, %swap3A_15] : memref<8x256xf32, #tpu.memory_space<vmem>>, vector<8x256xf32>
      tpu.vector_store %arg12[%swap3A, %swap3A_15], %broadcast_in_dim3A_14 {strides = array<i32>} : memref<8x256xf32, #tpu.memory_space<vmem>>, vector<8x256xf32>,
      %broadcast_in_dim3A_17 = arith.constant 0.000000e+00 : f32
      %broadcast_in_dim3A_18 = vector.broadcast %broadcast_in_dim3A_17 : f32 to vector<8x256xf32>
      %swap3A_19 = arith.constant 0 : index
      %swap3A_20 = arith.constant 0 : index
      %swap3A_21 = vector.load %arg13[%swap3A_19, %swap3A_20] : memref<8x256xf32, #tpu.memory_space<vmem>>, vector<8x256xf32>
      tpu.vector_store %arg13[%swap3A_19, %swap3A_20], %broadcast_in_dim3A_18 {strides = array<i32>} : memref<8x256xf32, #tpu.memory_space<vmem>>, vector<8x256xf32>,
      %broadcast_in_dim3A_22 = arith.constant 0.000000e+00 : f32
      %broadcast_in_dim3A_23 = vector.broadcast %broadcast_in_dim3A_22 : f32 to vector<8x128xf32>
      %swap3A_24 = arith.constant 0 : index
      %swap3A_25 = arith.constant 0 : index
      %swap3A_26 = vector.load %arg14[%swap3A_24, %swap3A_25] : memref<8x128xf32, #tpu.memory_space<vmem>>, vector<8x128xf32>
      tpu.vector_store %arg14[%swap3A_24, %swap3A_25], %broadcast_in_dim3A_23 {strides = array<i32>} : memref<8x128xf32, #tpu.memory_space<vmem>>, vector<8x128xf32>,
    } else {
    }
    %eq3A_4 = arith.constant 0 : i32
    %eq3A_5 = arith.cmpi eq, %arg0, %eq3A_4 : i32
    %convert_element_type3A_6 = arith.extui %eq3A_5 : i1 to i32
    %cond3A_7 = arith.constant 0 : i32
    %cond3A_8 = arith.cmpi ne, %convert_element_type3A_6, %cond3A_7 : i32
    scf.if %cond3A_8 {
      %get3A = arith.constant 0 : index
      %get3A_14 = arith.constant 0 : index
      %get3A_15 = arith.constant 0 : index
      %get3A_16 = vector.load %arg5[%get3A, %get3A_14, %get3A_15] : memref<2x2048x128xf32, #tpu.memory_space<vmem>>, vector<1x2048x1xf32>
      %get3A_17 = vector.shape_cast %get3A_16 : vector<1x2048x1xf32> to vector<2048x1xf32>
      %get3A_18 = arith.constant 1 : index
      %get3A_19 = arith.constant 0 : index
      %get3A_20 = arith.constant 0 : index
      %get3A_21 = vector.load %arg5[%get3A_18, %get3A_19, %get3A_20] : memref<2x2048x128xf32, #tpu.memory_space<vmem>>, vector<1x2048x1xf32>
      %get3A_22 = vector.shape_cast %get3A_21 : vector<1x2048x1xf32> to vector<2048x1xf32>
      %add3A = arith.addf %get3A_17, %get3A_22 : vector<2048x1xf32>
      %max3A = arith.constant 1.000000e+00 : f32
      %max3A_23 = vector.broadcast %max3A : f32 to vector<2048x1xf32>
      %max3A_24 = arith.maximumf %add3A, %max3A_23 : vector<2048x1xf32>
      %div3A = arith.constant 1.000000e+00 : f32
      %div3A_25 = vector.broadcast %div3A : f32 to vector<2048x1xf32>
      %div3A_26 = arith.divf %div3A_25, %max3A_24 : vector<2048x1xf32>
      %get3A_27 = arith.constant 0 : index
      %get3A_28 = arith.constant 0 : index
      %get3A_29 = vector.load %arg3[%get3A_27, %get3A_28] : memref<2048x128xf32, #tpu.memory_space<vmem>>, vector<2048x128xf32>
      %get3A_30 = arith.constant 0 : index
      %get3A_31 = arith.constant 0 : index
      %get3A_32 = vector.load %arg4[%get3A_30, %get3A_31] : memref<2048x128xf32, #tpu.memory_space<vmem>>, vector<2048x128xf32>
      %concatenate3A = tpu.concatenate %get3A_29, %get3A_32 in 1 : vector<2048x128xf32>, vector<2048x128xf32> -> vector<2048x256xf32>
      %mul3A = vector.broadcast %div3A_26 : vector<2048x1xf32> to vector<2048x256xf32>
      %mul3A_33 = arith.mulf %concatenate3A, %mul3A : vector<2048x256xf32>
      %get3A_34 = arith.constant 0 : index
      %get3A_35 = arith.constant 0 : index
      %get3A_36 = vector.load %arg2[%get3A_34, %get3A_35] : memref<2048x256xf32, #tpu.memory_space<vmem>>, vector<2048x256xf32>
      %add3A_37 = arith.addf %get3A_36, %mul3A_33 : vector<2048x256xf32>
      %get3A_38 = arith.constant 0 : index
      %get3A_39 = arith.constant 0 : index
      %get3A_40 = vector.load %arg6[%get3A_38, %get3A_39] : memref<2048x256xf32, #tpu.memory_space<vmem>>, vector<2048x256xf32>
      %add3A_41 = arith.addf %add3A_37, %get3A_40 : vector<2048x256xf32>
      %max3A_42 = arith.constant 0.000000e+00 : f32
      %max3A_43 = vector.broadcast %max3A_42 : f32 to vector<2048x256xf32>
      %max3A_44 = arith.maximumf %add3A_41, %max3A_43 : vector<2048x256xf32>
      %mul3A_45 = arith.constant 2048 : i32
      %mul3A_46 = arith.muli %arg1, %mul3A_45 : i32
      %swap3A = arith.index_cast %mul3A_46 : i32 to index
      %swap3A_47 = arith.constant 0 : index
      %swap3A_48 = vector.load %arg15[%swap3A, %swap3A_47] : memref<10240x256xf32, #tpu.memory_space<vmem>>, vector<2048x256xf32>
      tpu.vector_store %arg15[%swap3A, %swap3A_47], %max3A_44 {strides = array<i32>} : memref<10240x256xf32, #tpu.memory_space<vmem>>, vector<2048x256xf32>,
      %get3A_49 = arith.constant 0 : index
      %get3A_50 = arith.constant 0 : index
      %get3A_51 = vector.load %arg7[%get3A_49, %get3A_50] : memref<8x2048xf32, #tpu.memory_space<vmem>>, vector<8x2048xf32>
      %get3A_52 = arith.constant 0 : index
      %get3A_53 = arith.constant 0 : index
      %get3A_54 = vector.load %arg12[%get3A_52, %get3A_53] : memref<8x256xf32, #tpu.memory_space<vmem>>, vector<8x256xf32>
      %dot_general3A = arith.constant dense<0.000000e+00> : vector<8x256xf32>
      %dot_general3A_55 = tpu.matmul %get3A_51, %max3A_44, %dot_general3A {dimension_numbers = #tpu.dot_dimension_numbers<[1], [0], [0], [1], [0, 0, 1, 1], [], []>, transpose_lhs_hint = false} : vector<8x2048xf32>, vector<2048x256xf32>, vector<8x256xf32> -> vector<8x256xf32>
      %add3A_56 = arith.addf %get3A_54, %dot_general3A_55 : vector<8x256xf32>
      %swap3A_57 = arith.constant 0 : index
      %swap3A_58 = arith.constant 0 : index
      %swap3A_59 = vector.load %arg12[%swap3A_57, %swap3A_58] : memref<8x256xf32, #tpu.memory_space<vmem>>, vector<8x256xf32>
      tpu.vector_store %arg12[%swap3A_57, %swap3A_58], %add3A_56 {strides = array<i32>} : memref<8x256xf32, #tpu.memory_space<vmem>>, vector<8x256xf32>,
      %get3A_60 = arith.constant 0 : index
      %get3A_61 = arith.constant 0 : index
      %get3A_62 = vector.load %arg13[%get3A_60, %get3A_61] : memref<8x256xf32, #tpu.memory_space<vmem>>, vector<8x256xf32>
      %mul3A_63 = arith.mulf %max3A_44, %max3A_44 : vector<2048x256xf32>
      %dot_general3A_64 = arith.constant dense<0.000000e+00> : vector<8x256xf32>
      %dot_general3A_65 = tpu.matmul %get3A_51, %mul3A_63, %dot_general3A_64 {dimension_numbers = #tpu.dot_dimension_numbers<[1], [0], [0], [1], [0, 0, 1, 1], [], []>, transpose_lhs_hint = false} : vector<8x2048xf32>, vector<2048x256xf32>, vector<8x256xf32> -> vector<8x256xf32>
      %add3A_66 = arith.addf %get3A_62, %dot_general3A_65 : vector<8x256xf32>
      %swap3A_67 = arith.constant 0 : index
      %swap3A_68 = arith.constant 0 : index
      %swap3A_69 = vector.load %arg13[%swap3A_67, %swap3A_68] : memref<8x256xf32, #tpu.memory_space<vmem>>, vector<8x256xf32>
      tpu.vector_store %arg13[%swap3A_67, %swap3A_68], %add3A_66 {strides = array<i32>} : memref<8x256xf32, #tpu.memory_space<vmem>>, vector<8x256xf32>,
      %get3A_70 = arith.constant 0 : index
      %get3A_71 = arith.constant 0 : index
      %get3A_72 = vector.load %arg14[%get3A_70, %get3A_71] : memref<8x128xf32, #tpu.memory_space<vmem>>, vector<8x128xf32>
      %reduce_sum3A = arith.constant dense<0.000000e+00> : vector<8xf32>
      %reduce_sum3A_73 = vector.multi_reduction <add>, %get3A_51, %reduce_sum3A [1] : vector<8x2048xf32> to vector<8xf32>
      %broadcast_in_dim3A = vector.shape_cast %reduce_sum3A_73 : vector<8xf32> to vector<8x1xf32>
      %broadcast_in_dim3A_74 = vector.shape_cast %broadcast_in_dim3A : vector<8x1xf32> to vector<8x1xf32>
      %broadcast_in_dim3A_75 = vector.broadcast %broadcast_in_dim3A_74 : vector<8x1xf32> to vector<8x128xf32>
      %add3A_76 = arith.addf %get3A_72, %broadcast_in_dim3A_75 : vector<8x128xf32>
      %swap3A_77 = arith.constant 0 : index
      %swap3A_78 = arith.constant 0 : index
      %swap3A_79 = vector.load %arg14[%swap3A_77, %swap3A_78] : memref<8x128xf32, #tpu.memory_space<vmem>>, vector<8x128xf32>
      tpu.vector_store %arg14[%swap3A_77, %swap3A_78], %add3A_76 {strides = array<i32>} : memref<8x128xf32, #tpu.memory_space<vmem>>, vector<8x128xf32>,
      %eq3A_80 = arith.constant 4 : i32
      %eq3A_81 = arith.cmpi eq, %arg1, %eq3A_80 : i32
      %convert_element_type3A_82 = arith.extui %eq3A_81 : i1 to i32
      %cond3A_83 = arith.constant 0 : i32
      %cond3A_84 = arith.cmpi ne, %convert_element_type3A_82, %cond3A_83 : i32
      scf.if %cond3A_84 {
        %get3A_85 = arith.constant 0 : index
        %get3A_86 = arith.constant 0 : index
        %get3A_87 = vector.load %arg14[%get3A_85, %get3A_86] : memref<8x128xf32, #tpu.memory_space<vmem>>, vector<8x1xf32>
        %max3A_88 = arith.constant 1.000000e+00 : f32
        %max3A_89 = vector.broadcast %max3A_88 : f32 to vector<8x1xf32>
        %max3A_90 = arith.maximumf %get3A_87, %max3A_89 : vector<8x1xf32>
        %div3A_91 = arith.constant 1.000000e+00 : f32
        %div3A_92 = vector.broadcast %div3A_91 : f32 to vector<8x1xf32>
        %div3A_93 = arith.divf %div3A_92, %max3A_90 : vector<8x1xf32>
        %get3A_94 = arith.constant 0 : index
        %get3A_95 = arith.constant 0 : index
        %get3A_96 = vector.load %arg12[%get3A_94, %get3A_95] : memref<8x256xf32, #tpu.memory_space<vmem>>, vector<8x256xf32>
        %mul3A_97 = vector.broadcast %div3A_93 : vector<8x1xf32> to vector<8x256xf32>
        %mul3A_98 = arith.mulf %get3A_96, %mul3A_97 : vector<8x256xf32>
        %get3A_99 = arith.constant 0 : index
        %get3A_100 = arith.constant 0 : index
        %get3A_101 = vector.load %arg13[%get3A_99, %get3A_100] : memref<8x256xf32, #tpu.memory_space<vmem>>, vector<8x256xf32>
        %mul3A_102 = vector.broadcast %div3A_93 : vector<8x1xf32> to vector<8x256xf32>
        %mul3A_103 = arith.mulf %get3A_101, %mul3A_102 : vector<8x256xf32>
        %get3A_104 = arith.constant 0 : index
        %get3A_105 = arith.constant 0 : index
        %get3A_106 = vector.load %arg10[%get3A_104, %get3A_105] : memref<1x256xf32, #tpu.memory_space<vmem>>, vector<1x256xf32>
        %mul3A_107 = arith.mulf %mul3A_98, %mul3A_98 : vector<8x256xf32>
        %mul3A_108 = vector.broadcast %get3A_106 : vector<1x256xf32> to vector<8x256xf32>
        %mul3A_109 = arith.mulf %mul3A_107, %mul3A_108 : vector<8x256xf32>
        %sub3A = arith.constant 2.000000e+00 : f32
        %sub3A_110 = vector.broadcast %sub3A : f32 to vector<1x256xf32>
        %sub3A_111 = arith.subf %get3A_106, %sub3A_110 : vector<1x256xf32>
        %mul3A_112 = vector.broadcast %sub3A_111 : vector<1x256xf32> to vector<8x256xf32>
        %mul3A_113 = arith.mulf %mul3A_109, %mul3A_112 : vector<8x256xf32>
        %add3A_114 = arith.addf %mul3A_103, %mul3A_113 : vector<8x256xf32>
        %get3A_115 = arith.constant 0 : index
        %get3A_116 = arith.constant 0 : index
        %get3A_117 = vector.load %arg8[%get3A_115, %get3A_116] : memref<1x256xf32, #tpu.memory_space<vmem>>, vector<1x256xf32>
        %add3A_118 = arith.constant 9.99999974E-6 : f32
        %add3A_119 = vector.broadcast %add3A_118 : f32 to vector<8x256xf32>
        %add3A_120 = arith.addf %add3A_114, %add3A_119 : vector<8x256xf32>
        %rsqrt3A = math.rsqrt %add3A_120 : vector<8x256xf32>
        %mul3A_121 = vector.broadcast %get3A_117 : vector<1x256xf32> to vector<8x256xf32>
        %mul3A_122 = arith.mulf %mul3A_121, %rsqrt3A : vector<8x256xf32>
        %swap3A_123 = arith.constant 0 : index
        %swap3A_124 = arith.constant 0 : index
        %swap3A_125 = vector.load %arg16[%swap3A_123, %swap3A_124] : memref<8x256xf32, #tpu.memory_space<vmem>>, vector<8x256xf32>
        tpu.vector_store %arg16[%swap3A_123, %swap3A_124], %mul3A_122 {strides = array<i32>} : memref<8x256xf32, #tpu.memory_space<vmem>>, vector<8x256xf32>,
        %get3A_126 = arith.constant 0 : index
        %get3A_127 = arith.constant 0 : index
        %get3A_128 = vector.load %arg9[%get3A_126, %get3A_127] : memref<1x256xf32, #tpu.memory_space<vmem>>, vector<1x256xf32>
        %mul3A_129 = vector.broadcast %get3A_106 : vector<1x256xf32> to vector<8x256xf32>
        %mul3A_130 = arith.mulf %mul3A_98, %mul3A_129 : vector<8x256xf32>
        %mul3A_131 = arith.mulf %mul3A_130, %mul3A_122 : vector<8x256xf32>
        %sub3A_132 = vector.broadcast %get3A_128 : vector<1x256xf32> to vector<8x256xf32>
        %sub3A_133 = arith.subf %sub3A_132, %mul3A_131 : vector<8x256xf32>
        %swap3A_134 = arith.constant 0 : index
        %swap3A_135 = arith.constant 0 : index
        %swap3A_136 = vector.load %arg17[%swap3A_134, %swap3A_135] : memref<8x256xf32, #tpu.memory_space<vmem>>, vector<8x256xf32>
        tpu.vector_store %arg17[%swap3A_134, %swap3A_135], %sub3A_133 {strides = array<i32>} : memref<8x256xf32, #tpu.memory_space<vmem>>, vector<8x256xf32>,
      } else {
      }
    } else {
    }
    %eq3A_9 = arith.constant 1 : i32
    %eq3A_10 = arith.cmpi eq, %arg0, %eq3A_9 : i32
    %convert_element_type3A_11 = arith.extui %eq3A_10 : i1 to i32
    %cond3A_12 = arith.constant 0 : i32
    %cond3A_13 = arith.cmpi ne, %convert_element_type3A_11, %cond3A_12 : i32
    scf.if %cond3A_13 {
      %get3A = arith.constant 0 : index
      %get3A_14 = arith.constant 0 : index
      %get3A_15 = vector.load %arg7[%get3A, %get3A_14] : memref<8x2048xf32, #tpu.memory_space<vmem>>, vector<8x2048xf32>
      %get3A_16 = arith.constant 0 : index
      %get3A_17 = arith.constant 0 : index
      %get3A_18 = vector.load %arg16[%get3A_16, %get3A_17] : memref<8x256xf32, #tpu.memory_space<vmem>>, vector<8x256xf32>
      %dot_general3A = arith.constant dense<0.000000e+00> : vector<2048x256xf32>
      %dot_general3A_19 = tpu.matmul %get3A_15, %get3A_18, %dot_general3A {dimension_numbers = #tpu.dot_dimension_numbers<[0], [0], [1], [1], [0, 1, 1, 1], [], []>, transpose_lhs_hint = false} : vector<8x2048xf32>, vector<8x256xf32>, vector<2048x256xf32> -> vector<2048x256xf32>
      %get3A_20 = arith.constant 0 : index
      %get3A_21 = arith.constant 0 : index
      %get3A_22 = vector.load %arg17[%get3A_20, %get3A_21] : memref<8x256xf32, #tpu.memory_space<vmem>>, vector<8x256xf32>
      %dot_general3A_23 = arith.constant dense<0.000000e+00> : vector<2048x256xf32>
      %dot_general3A_24 = tpu.matmul %get3A_15, %get3A_22, %dot_general3A_23 {dimension_numbers = #tpu.dot_dimension_numbers<[0], [0], [1], [1], [0, 1, 1, 1], [], []>, transpose_lhs_hint = false} : vector<8x2048xf32>, vector<8x256xf32>, vector<2048x256xf32> -> vector<2048x256xf32>
      %mul3A = arith.constant 2048 : i32
      %mul3A_25 = arith.muli %arg1, %mul3A : i32
      %get3A_26 = arith.index_cast %mul3A_25 : i32 to index
      %get3A_27 = arith.constant 0 : index
      %get3A_28 = vector.load %arg15[%get3A_26, %get3A_27] : memref<10240x256xf32, #tpu.memory_space<vmem>>, vector<2048x256xf32>
      %mul3A_29 = arith.mulf %get3A_28, %dot_general3A_19 : vector<2048x256xf32>
      %add3A = arith.addf %mul3A_29, %dot_general3A_24 : vector<2048x256xf32>
      %swap3A = arith.constant 0 : index
      %swap3A_30 = arith.constant 0 : index
      %swap3A_31 = vector.load %arg11[%swap3A, %swap3A_30] : memref<2048x256xf32, #tpu.memory_space<vmem>>, vector<2048x256xf32>
      tpu.vector_store %arg11[%swap3A, %swap3A_30], %add3A {strides = array<i32>} : memref<2048x256xf32, #tpu.memory_space<vmem>>, vector<2048x256xf32>,
    } else {
    }
    return
  }
  func.func @transform_0(%arg0: i32, %arg1: i32) -> (i32, i32) {
    %sub3A = arith.constant 1 : i32
    %sub3A_0 = arith.subi %sub3A, %arg0 : i32
    %mul3A = arith.muli %sub3A_0, %arg1 : i32
    %c0_i32 = arith.constant 0 : i32
    %c0_i32_1 = arith.constant 0 : i32
    return %mul3A, %c0_i32 : i32, i32
  }
  func.func @transform_1(%arg0: i32, %arg1: i32) -> (i32, i32) {
    %sub3A = arith.constant 1 : i32
    %sub3A_0 = arith.subi %sub3A, %arg0 : i32
    %mul3A = arith.muli %sub3A_0, %arg1 : i32
    %c0_i32 = arith.constant 0 : i32
    %c0_i32_1 = arith.constant 0 : i32
    return %mul3A, %c0_i32 : i32, i32
  }
  func.func @transform_2(%arg0: i32, %arg1: i32) -> (i32, i32) {
    %sub3A = arith.constant 1 : i32
    %sub3A_0 = arith.subi %sub3A, %arg0 : i32
    %mul3A = arith.muli %sub3A_0, %arg1 : i32
    %c0_i32 = arith.constant 0 : i32
    %c0_i32_1 = arith.constant 0 : i32
    return %mul3A, %c0_i32 : i32, i32
  }
  func.func @transform_3(%arg0: i32, %arg1: i32) -> (i32, i32, i32) {
    %sub3A = arith.constant 1 : i32
    %sub3A_0 = arith.subi %sub3A, %arg0 : i32
    %mul3A = arith.muli %sub3A_0, %arg1 : i32
    %c0_i32 = arith.constant 0 : i32
    %c0_i32_1 = arith.constant 0 : i32
    %c0_i32_2 = arith.constant 0 : i32
    return %c0_i32, %mul3A, %c0_i32_1 : i32, i32, i32
  }
  func.func @transform_4(%arg0: i32, %arg1: i32) -> (i32, i32) {
    %sub3A = arith.constant 1 : i32
    %sub3A_0 = arith.subi %sub3A, %arg0 : i32
    %mul3A = arith.muli %sub3A_0, %arg1 : i32
    %c0_i32 = arith.constant 0 : i32
    %c0_i32_1 = arith.constant 0 : i32
    return %mul3A, %c0_i32 : i32, i32
  }
  func.func @transform_5(%arg0: i32, %arg1: i32) -> (i32, i32) {
    %c0_i32 = arith.constant 0 : i32
    %c0_i32_0 = arith.constant 0 : i32
    return %c0_i32, %arg1 : i32, i32
  }
  func.func @transform_6(%arg0: i32, %arg1: i32) -> (i32, i32) {
    %c0_i32 = arith.constant 0 : i32
    %c0_i32_0 = arith.constant 0 : i32
    %c0_i32_1 = arith.constant 0 : i32
    return %c0_i32, %c0_i32_0 : i32, i32
  }
  func.func @transform_7(%arg0: i32, %arg1: i32) -> (i32, i32) {
    %c0_i32 = arith.constant 0 : i32
    %c0_i32_0 = arith.constant 0 : i32
    %c0_i32_1 = arith.constant 0 : i32
    return %c0_i32, %c0_i32_0 : i32, i32
  }
  func.func @transform_8(%arg0: i32, %arg1: i32) -> (i32, i32) {
    %c0_i32 = arith.constant 0 : i32
    %c0_i32_0 = arith.constant 0 : i32
    %c0_i32_1 = arith.constant 0 : i32
    return %c0_i32, %c0_i32_0 : i32, i32
  }
  func.func @transform_9(%arg0: i32, %arg1: i32) -> (i32, i32) {
    %c0_i32 = arith.constant 0 : i32
    %c0_i32_0 = arith.constant 0 : i32
    return %arg1, %c0_i32 : i32, i32
  }
}

</mosaic_0001>

<sc_bundles>
// kernel: kernel.10.cloned.1.call-start
scs
__scs_entry_jumppad:
0x0: {  	(pc) =	sbr.rel $0x88, $3  }
0x1: {  	(tag) =	ssettag $0x0;
	lr =	simm.s32 $0x1  }
0x2: {  	[smem:$0x3F95] =	sst lr;
	_ =	strace $0xD0000000  }
0x3: {  	_ = 	snop  }
0x4: {  	_ = 	snop  }
0x5: {  	_ = 	snop  }
0x6: {  	_ = 	snop  }
0x7: {  	_ = 	snop  }
__scs_overlays_trampoline_lowered:
0x8: {  	[smem:$0x3FA4] =	sst s0  }
0x9: {  	[smem:$0x3FA5] =	sst s1  }
0xa: {  	[smem:$0x3FA6] =	sst s2  }
0xb: {  	[smem:$0x3FA7] =	sst s3  }
0xc: {  	[smem:$0x3FA8] =	sst s4  }
0xd: {  	[smem:$0x3FA9] =	sst s5  }
0xe: {  	[smem:$0x3FAA] =	sst s6  }
0xf: {  	[smem:$0x3FAB] =	sst s7  }
0x10: {  	[smem:$0x3FAC] =	sst s8  }
0x11: {  	[smem:$0x3FAD] =	sst s9;
	s0 =	simm.s32 @!p0 $0x0  }
0x12: {  	s1 =	sld [smem:$0x3F93];
	s0 =	simm.s32 @p0 $0x1  }
0x13: {  	[smem:$0x3FAE] =	sst s0;
	s0 =	simm.s32 @!p1 $0x0  }
0x14: {  	s2 =	sld [smem:$0x3F92];
	s0 =	simm.s32 @p1 $0x1  }
0x15: {  	[smem:$0x3FAF] =	sst s0;
	s0 =	simm.s32 @!p2 $0x0  }
0x16: {  	s3 =	sld [smem:$0x3FDB];
	s0 =	simm.s32 @p2 $0x1  }
0x17: {  	s4 =	simm.s32 $0x1BF5;
	[smem:$0x3FB1] =	sst s0  }
0x18: {  	s0 =	sld [smem:$0x3F94];
	_ =	swait.ge [sflag:s4], $0x0  }
0x19: {  	s7 =	sld [smem:$0x3F95]  }
0x1a: {  	s8 =	sadd.s32 $0xFFFFE003, lr  }
0x1b: {  	s9 =	sadd.s32 $0xFFFFFEF7, lr;
	s5 =	simm.s32 $0xFFFFFFFF;
	p2 =	slt.u32 s8, $0xFFFFF086  }
0x1c: {  	p1 =	slt.u32 s9, $0xF7A;
	s5 =	simm.s32 @!p2 $0x0  }
0x1d: {  	s5 =	simm.s32 @p1 $0x1;
	p0 =	seq.s32 s7, s2  }
0x1e: {  	s7 =	smul.u32 @!p0 $0xF7A, s2;
	p2 =	seq.s32 @!p0 s5, $0x0  }
0x1f: {  	s9 =	smul.u32 $0xF7A, s1;
	s8 =	simm.s32 @!p0 $0x1BF5;
	p2 =	por !p2, p0  }
0x20: {  	[sflag:s8] =	ssyncset.s32 @!p0 $0xFFFFF086;
	s6 =	sadd.s32 @!p0 s3, s7;
	s7 =	simm.s32 @!p0 $0x108  }
0x21: {  	s3 =	sadd.s32 s3, s9;
	s6 =	sadd.s32 @!p0 $0x88, s6;
	s7 =	simm.s32 @p2 $0x1082  }
0x22: {  	[simem:s7], [sflag:s8] =	dma.local @!p0 [hbm:s6], $0xF7A  }
0x23: {  	s9 =	sor.u32 $0xD0000000, s2;
	s6 =	simm.s32 $0x108;
	_ =	swait.ge @!p0 [sflag:s8], $0x0  }
0x24: {  	s3 =	sadd.s32 $0x88, s3;
	s6 =	simm.s32 @!p1 $0x1082;
	[sflag:s4] =	ssyncset.s32 $0xFFFFF086  }
0x25: {  	[simem:s6], [sflag:s4] =	dma.local [hbm:s3], $0xF7A  }
0x26: {  	[smem:$0x3F95] =	sst s1;
	(tag) =	ssettag s2;
	_ =	strace s9  }
0x27: {  	s1 =	sld [smem:$0x3FA5]  }
0x28: {  	s2 =	sld [smem:$0x3FA6]  }
0x29: {  	s4 =	sld [smem:$0x3FA8]  }
0x2a: {  	p0 =	seq.s32 s5, $0x0;
	s5 =	sld [smem:$0x3FA9]  }
0x2b: {  	s6 =	sld [smem:$0x3FAA]  }
0x2c: {  	s7 =	sld [smem:$0x3FAB]  }
0x2d: {  	s3 =	simm.s32 $0x108;
	s8 =	sld [smem:$0x3FAC]  }
0x2e: {  	s3 =	simm.s32 @!p0 $0x1082;
	s9 =	sld [smem:$0x3FAD]  }
0x2f: {  	lr =	sadd.s32 s0, s3;
	s0 =	sld [smem:$0x3FA4]  }
0x30: {  	s3 =	sld [smem:$0x3FA7]  }
0x31: {  	[smem:$0x3FB0] =	sst s10  }
0x32: {  	s10 =	sld [smem:$0x3FAE];
	_ =	sdelay $0x3  }
0x33: {  	p0 =	seq.s32 s10, $0x1;
	s10 =	sld [smem:$0x3FB0];
	_ =	sdelay $0x3  }
0x34: {  	[smem:$0x3FB0] =	sst s10  }
0x35: {  	s10 =	sld [smem:$0x3FAF];
	_ =	sdelay $0x3  }
0x36: {  	p1 =	seq.s32 s10, $0x1;
	s10 =	sld [smem:$0x3FB0];
	_ =	sdelay $0x3  }
0x37: {  	[smem:$0x3FB0] =	sst s10  }
0x38: {  	s10 =	sld [smem:$0x3FB1]  }
0x39: {  	_ = 	snop;
	(pc) =	sbr.ind lr, $3  }
0x3a: {  	_ = 	snop  }
0x3b: {  	_ = 	snop  }
0x3c: {  	p2 =	seq.s32 s10, $0x1;
	s10 =	sld [smem:$0x3FB0]  }
0x3d: {  	_ =	shalt  }
0x3e: {  	_ =	shalt  }
0x3f: {  	_ =	shalt  }
0x40: {  	_ =	shalt  }
0x41: {  	_ =	shalt  }
0x42: {  	_ =	shalt  }
0x43: {  	_ =	shalt  }
0x44: {  	_ =	shalt  }
0x45: {  	_ =	shalt  }
0x46: {  	_ =	shalt  }
0x47: {  	_ =	shalt  }
0x48: {  	_ =	shalt  }
0x49: {  	_ =	shalt  }
0x4a: {  	_ =	shalt  }
0x4b: {  	_ =	shalt  }
0x4c: {  	_ =	shalt  }
0x4d: {  	_ =	shalt  }
0x4e: {  	_ =	shalt  }
0x4f: {  	_ =	shalt  }
0x50: {  	_ =	shalt  }
0x51: {  	_ =	shalt  }
0x52: {  	_ =	shalt  }
0x53: {  	_ =	shalt  }
0x54: {  	_ =	shalt  }
0x55: {  	_ =	shalt  }
0x56: {  	_ =	shalt  }
0x57: {  	_ =	shalt  }
0x58: {  	_ =	shalt  }
0x59: {  	_ =	shalt  }
0x5a: {  	_ =	shalt  }
0x5b: {  	_ =	shalt  }
0x5c: {  	_ =	shalt  }
0x5d: {  	_ =	shalt  }
0x5e: {  	_ =	shalt  }
0x5f: {  	_ =	shalt  }
0x60: {  	_ =	shalt  }
0x61: {  	_ =	shalt  }
0x62: {  	_ =	shalt  }
0x63: {  	_ =	shalt  }
0x64: {  	_ =	shalt  }
0x65: {  	_ =	shalt  }
0x66: {  	_ =	shalt  }
0x67: {  	_ =	shalt  }
0x68: {  	_ =	shalt  }
0x69: {  	_ =	shalt  }
0x6a: {  	_ =	shalt  }
0x6b: {  	_ =	shalt  }
0x6c: {  	_ =	shalt  }
0x6d: {  	_ =	shalt  }
0x6e: {  	_ =	shalt  }
0x6f: {  	_ =	shalt  }
0x70: {  	_ =	shalt  }
0x71: {  	_ =	shalt  }
0x72: {  	_ =	shalt  }
0x73: {  	_ =	shalt  }
0x74: {  	_ =	shalt  }
0x75: {  	_ =	shalt  }
0x76: {  	_ =	shalt  }
0x77: {  	_ =	shalt  }
0x78: {  	_ =	shalt  }
0x79: {  	_ =	shalt  }
0x7a: {  	_ =	shalt  }
0x7b: {  	_ =	shalt  }
0x7c: {  	_ =	shalt  }
0x7d: {  	_ =	shalt  }
0x7e: {  	_ =	shalt  }
0x7f: {  	_ =	shalt  }
0x80: {  	_ =	shalt  }
0x81: {  	_ =	shalt  }
0x82: {  	_ =	shalt  }
0x83: {  	_ =	shalt  }
0x84: {  	_ =	shalt  }
0x85: {  	_ =	shalt  }
0x86: {  	_ =	shalt  }
0x87: {  	_ =	shalt  }
.Lfunc_end0:
.L_simem_size_0:
called_computation.1_lowered:
.L_overlay_start_0:
0x88: {  	s2 =	sld [smem:$0x3FD9]  }
0x89: {  	s3 =	sld [smem:$0x3FFE];
	_ =	sdelay $0x1  }
0x8a: {  	s1 =	srdreg.scid  }
0x8b: {  	s0 =	sand.u32 $0x1, s1  }
0x8c: {  	s17 =	sshll.u32 s0, $0xA;
	s2 =	sadd.s32 s3, s2  }
0x8d: {  	s2 =	sadd.s32 s2, s17  }
0x8e: {  	[smem:$0x3FBC] =	sst s2  }
0x8f: {  	_ = 	snop  }
0x90: {  	s2 =	sld [smem:$0x3FD0];
	(tm) =	ssettm $0x1  }
0x91: {  	s18 =	sld [smem:$0x3FFB];
	_ =	sdelay $0x3  }
0x92: {  	_ =	strace s18  }
0x93: {  	s3 =	sld [smem:$0x3FFC];
	_ =	sdelay $0x3  }
0x94: {  	_ =	strace s3  }
0x95: {  	s3 =	sld [smem:$0x3FFD];
	_ =	sdelay $0x3  }
0x96: {  	_ =	strace s3  }
0x97: {  	_ =	strace $0x8FFFFFFF  }
0x98: {  	s19 =	sld [smem:$0x3FDB];
	_ =	sdelay $0x1  }
0x99: {  	s4 =	simm.s32 $_scs_section_size  }
0x9a: {  	s5 =	simm.s32 $_size__tile_overlayer_lowered;
	s6 =	simm.s32 $_tile_overlayer_lowered  }
0x9b: {  	s22 =	simm.s32 $0x1BFF;
	s21 =	sshll.u32 s6, $0x1;
	s3 =	sadd.s32 s4, s19  }
0x9c: {  	s7 =	simm.s32 $0x0;
	s20 =	sshll.u32 s5, $0x1;
	s5 =	sadd.s32 s21, s3  }
0x9d: {  	[timem:s7], [sflag:s22] =	dma.local [hbm:s5], s20  }
0x9e: {  	_ =	swait.ge [sflag:s22], s20  }
0x9f: {  	s4 =	ssub.s32 $0x0, s20;
	[sflag:s22] =	ssyncset.done $0x0  }
0xa0: {  	[sflag:s22] =	ssyncadd.s32 s4;
	_ =	sdelay $0x1  }
0xa1: {  	s23 =	simm.s32 $0x1B8B  }
0xa2: {  	_ =	swait.ge [sflag:s23], $0x1  }
0xa3: {  	[sflag:s23] =	ssyncset.done $0x0  }
0xa4: {  	s25 =	simm.s32 $0x1B8E;
	s24 =	sld [smem:$0x3FFE];
	[sflag:s23] =	ssyncadd.s32 $0xFFFFFFFF  }
0xa5: {  	s26 =	simm.s32 $execute0_lowered;
	[smem:$0x3FD2] =	sst s25  }
0xa6: {  	s5 =	sshll.u32 s26, $0x1;
	_ =	strace $0x80000046;
	[dreg:$0x1] =	wrdreg $0xFFFFFFFF  }
0xa7: {  	s28 =	simm.s32 $_size_execute0_lowered;
	s3 =	sadd.s32 s3, s5;
	[dreg:$0x0] =	wrdreg $0x0  }
0xa8: {  	s5 =	sshll.u32 s28, $0x1;
	[dreg:$0x2] =	wrdreg s3  }
0xa9: {  	[dreg:$0x3] =	wrdreg s5  }
0xaa: {  	[dreg:$0x4] =	wrdreg $0xC0  }
0xab: {  	_ =	task [dreg:s7], $0x5FFFF  }
0xac: {  	[dreg:$0x1] =	wrdreg $0xFFFFFFFF  }
0xad: {  	[dreg:$0x0] =	wrdreg $0x60  }
0xae: {  	[dreg:$0x2] =	wrdreg s2  }
0xaf: {  	[dreg:$0x3] =	wrdreg s24  }
0xb0: {  	[dreg:$0x4] =	wrdreg $0x70800  }
0xb1: {  	[dreg:$0x5] =	wrdreg $0xA  }
0xb2: {  	_ =	task.clear_ibuf [dreg:s7], $0x6FFFF;
	_ =	strace $0x90000046  }
0xb3: {  	s29 =	simm.s32 $0xA;
	_ =	strace $0x80000048  }
0xb4: {  	_ =	swait.ge [sflag:s29], $0x1  }
0xb5: {  	[sflag:s29] =	ssyncadd.s32 $0xFFFFFFFF  }
0xb6: {  	_ =	strace $0x90000048  }
0xb7: {  	_ =	sfence  }
0xb8: {  	s30 =	sld [smem:$0x0];
	_ =	sdelay $0x2  }
0xb9: {  	s31 =	sshll.u32 s1, $0xD;
	s1 =	sshrl.u32 s1, $0x2  }
0xba: {  	s3 =	sand.u32 $0x4000, s31;
	s1 =	sadd.s32 s1, s30  }
0xbb: {  	s0 =	sor.u32 s3, s0;
	s1 =	sshll.u32 s1, $0x11  }
0xbc: {  	s0 =	sor.u32 s1, s0  }
0xbd: {  	s0 =	sadd.s32 $0x8F2B, s0  }
0xbe: {  	[sflag:s0] =	ssyncadd.remote.s32 $0x1  }
0xbf: {  	_ =	sfence.sel $0xFFFF  }
0xc0: {  	[dreg:$0x0] =	wrdreg $0xFFFFFFFF;
	(pc) =	sbr.abs _section_cstart, $3  }
0xc1: {  	[dreg:$0x1] =	wrdreg $0xFFFFFFFF  }
0xc2: {  	_ =	task.clear_ibuf [dreg:s7], $0x2FFFF;
	_ =	strace $0x9FFFFFFF  }
0xc3: {  	(tm) =	ssettm $0x7FFFFFFF  }
tec
execute0_lowered:
.L_overlay_start_1:
0x0: {  	(tag) =	ssettag $0x1  }
0x1: {  	s10 =	rddreg [dreg:$0x0]  }
0x2: {  	s8 =	rddreg [dreg:$0x1]  }
0x3: {  	s1 =	rddreg [dreg:$0x2]  }
0x4: {  	s0 =	rddreg [dreg:$0x3]  }
0x5: {  	s2 =	simm.s32 $0x0;
	s7 =	srdreg.scid;
	s3 =	stileid.u32  }
0x6: {  	s15 =	simm.s32 $0x1;
	s16 =	simm.s32 $0x1C00;
	s17 =	simm.s32 $0x4  }
0x7: {  	s18 =	simm.s32 $0x0;
	s4 =	sadd.s32 $0x66200, s8;
	s5 =	sadd.s32 $0xC200, s8  }
0x8: {  	s6 =	sadd.s32 $0x2200, s8;
	s9 =	sand.u32 $0x1, s7;
	s7 =	smul.u32 $0x280, s3  }
0x9: {  	s11 =	sadd.s32 $0xDE200, s8;
	s13 =	sadd.s32 $0x106200, s8;
	s8 =	smul.u32 $0x5, s3  }
0xa: {  	[smem:$0x7FF] =	sst s2;
	s31 =	smul.u32 $0x2800, s3;
	s12 =	ssub.s32 $0x2, s9  }
0xb: {  	_ =	strace $0x80000047;
	p0 =	seq.s32 s9, $0x0;
	s14 =	sshrl.u32 s12, $0x1  }
0xc: {  	s4 =	smov.u32 @p0 s10;
	s13 =	smov.u32 @p0 s11;
	s11 =	simm.s32 $0x50  }
0xd: {  	s12 =	ssub.s32 s12, s14;
	s10 =	sadd.s32 s31, s13;
	s13 =	simm.s32 $0x2000  }
0xe: {  	v0 =	vimm.f32 $0.0e+00;
	v1 =	vlaneseq.u32;
	s14 =	simm.s32 $0x3;
	s9 =	smax.u32 s12, $0x1;
	s12 =	simm.s32 $0x7000  }
.LBB2_1:
0xf: {  	s19 =	simm.s32 $0x0;
	s20 =	simm.s32 $0x200  }
.LBB2_2:
0x10: {  	p1 =	sne.s32 s20, $0x9E00;
	[tilespmem:s19+$0x2070] =	vst v0  }
0x11: {  	[tilespmem:s19+$0x2000] =	vst v0  }
0x12: {  	[tilespmem:s19+$0x2010] =	vst v0  }
.Ltmp0:
0x13: {  	[tilespmem:s19+$0x2020] =	vst v0;
	(pc) =	sbr.rel @p1 .LBB2_2-.Ltmp0, $4  }
0x14: {  	[tilespmem:s19+$0x2030] =	vst v0  }
0x15: {  	[tilespmem:s19+$0x2040] =	vst v0  }
0x16: {  	[tilespmem:s19+$0x2050] =	vst v0  }
0x17: {  	[tilespmem:s19+$0x2060] =	vst v0;
	s19 =	sshra.s32 s20, $0x2;
	s20 =	sadd.s32 $0x200, s20  }
0x18: {  	[tilespmem:s19+$0x2070] =	vst v0  }
0x19: {  	[tilespmem:s19+$0x2000] =	vst v0  }
0x1a: {  	[tilespmem:s19+$0x2010] =	vst v0  }
0x1b: {  	[tilespmem:s19+$0x2020] =	vst v0  }
0x1c: {  	[tilespmem:s19+$0x2030] =	vst v0  }
0x1d: {  	[tilespmem:s19+$0x2040] =	vst v0  }
0x1e: {  	[tilespmem:s19+$0x2050] =	vst v0;
	s20 =	sadd.s32 $0x0, s7  }
0x1f: {  	[tilespmem:s19+$0x2060] =	vst v0;
	v2 =	vor.u32 s20, v1;
	s30 =	sadd.s32 $0x40, s20  }
0x20: {  	s21 =	sadd.s32 $0x30, s20;
	[tilespmem:$0x7000] =	vst v2;
	v2 =	vor.u32 s30, v1  }
0x21: {  	s31 =	sadd.s32 $0x20, s20;
	v3 =	vor.u32 s21, v1;
	[tilespmem:$0x7040] =	vst v2  }
0x22: {  	s19 =	simm.s32 $0x50;
	s20 =	sadd.s32 $0x10, s20;
	v2 =	vor.u32 s31, v1;
	[tilespmem:$0x7030] =	vst v3  }
.LBB2_4:
0x23: {  	p1 =	sne.s32 s19, $0x230;
	v3 =	vor.u32 s20, v1;
	[tilespmem:$0x7020] =	vst v2  }
0x24: {  	[tilespmem:$0x7010] =	vst v3;
	[spmem:s1] =	stream.indirect.scatter [tilespmem:s13], [sflag:$0x3], $0x80, s12, s11, $0xb8  }
0x25: {  	_ =	swait.ge [sflag:s14], $0x2800  }
.Ltmp1:
0x26: {  	s20 =	sadd.s32 s19, s7;
	[sflag:s14] =	ssyncset.done $0x0;
	(pc) =	sbr.rel @p1 .LBB2_4-.Ltmp1, $4  }
0x27: {  	v2 =	vor.u32 s20, v1;
	s21 =	sadd.s32 $0x40, s20;
	[sflag:s14] =	ssyncadd.s32 $0xFFFFD800  }
0x28: {  	s22 =	sadd.s32 $0x30, s20;
	[tilespmem:$0x7000] =	vst v2;
	v2 =	vor.u32 s21, v1  }
0x29: {  	v3 =	vor.u32 s22, v1;
	s21 =	sadd.s32 $0x20, s20;
	[tilespmem:$0x7040] =	vst v2  }
0x2a: {  	s19 =	sadd.s32 $0x50, s19;
	s20 =	sadd.s32 $0x10, s20;
	v2 =	vor.u32 s21, v1;
	[tilespmem:$0x7030] =	vst v3  }
0x2b: {  	v3 =	vor.u32 s20, v1;
	[tilespmem:$0x7020] =	vst v2  }
0x2c: {  	[tilespmem:$0x7010] =	vst v3  }
0x2d: {  	[spmem:s1] =	stream.indirect.scatter [tilespmem:s13], [sflag:$0x3], $0x80, s12, s11, $0xb8;
	[tilespmem:$0x1B080] =	vst v63  }
0x2e: {  	_ =	swait.ge [sflag:s14], $0x2800  }
0x2f: {  	[sflag:s14] =	ssyncset.done $0x0  }
0x30: {  	[sflag:s14] =	ssyncadd.s32 $0xFFFFD800  }
0x31: {  	s19 =	simm.s32 $0x0;
	s20 =	simm.s32 $0x0;
	[bflag:$0x0] =	sbarrier.arrive $0xFFFF  }
.LBB2_6:
0x32: {  	s21 =	sadd.s32 s8, s20  }
0x33: {  	s21 =	sshll.u32 s21, $0x9  }
0x34: {  	s22 =	sadd.s32 s5, s21  }
0x35: {  	[tilespmem:s19], [sflag:$0x3] =	stream.linear.gather [hbm4b:s22+s19], $0xC80, $0x38;
	[tilespmem:$0x1B080] =	vst v63  }
0x36: {  	_ =	swait.ge [sflag:s14], $0xC80  }
0x37: {  	[sflag:s14] =	ssyncset.done $0x0  }
0x38: {  	s21 =	sadd.s32 s6, s21;
	s22 =	simm.s32 $0x1000;
	[sflag:s14] =	ssyncadd.s32 $0xFFFFF380  }
0x39: {  	[tilespmem:s22], [sflag:$0x3] =	stream.linear.gather [hbm4b:s21+s19], $0xC80, $0x38;
	[tilespmem:$0x1B080] =	vst v63  }
0x3a: {  	s30 =	sand.u32 $0x1, s19;
	_ =	swait.ge [sflag:s14], $0xC80  }
0x3b: {  	p1 =	seq.s32 s30, $0x1;
	[sflag:s14] =	ssyncset.done $0x0  }
0x3c: {  	s21 =	simm.s32 @p1 $0x2;
	[sflag:s14] =	ssyncadd.s32 $0xFFFFF380  }
0x3d: {  	[tilespmem:s13], [sflag:$0x1] =	stream.indirect.gather [hbm4b:s4+s11], $0x80, s19, s11, $0xb8;
	[tilespmem:$0x1B080] =	vst v63  }
0x3e: {  	_ =	swait.ge @p1 [sflag:s21], $0x2800  }
0x3f: {  	s24 =	simm.s32 $0x80;
	[sflag:s21] =	ssyncset.done @p1 $0x0  }
0x40: {  	s23 =	simm.s32 @p1 $0x2000;
	[sflag:s21] =	ssyncadd.s32 @p1 $0xFFFFD800;
	s21 =	simm.s32 @p1 $0x50  }
0x41: {  	[tilespmem:s23], [sflag:$0x1] =	stream.indirect.gather @p1 [hbm4b:s4+s21], $0x80, s24, s21, $0xb8;
	[tilespmem:$0x1B080] =	vst v63  }
0x42: {  	s25 =	simm.s32 @!p1 $0x1;
	s23 =	simm.s32 @p1 $0x4800  }
0x43: {  	[spmem:s1] =	stream.indirect.scatter.add.f32 @p1 [tilespmem:s23], [sflag:$0x3], $0x80, s22, s21, $0xb8;
	[tilespmem:$0x1B080] =	vst v63  }
0x44: {  	_ =	swait.ge @!p1 [sflag:s25], $0x2800  }
0x45: {  	s23 =	simm.s32 @!p1 $0x4;
	[sflag:s25] =	ssyncset.done @!p1 $0x0  }
0x46: {  	s21 =	simm.s32 @!p1 $0x50;
	[sflag:s25] =	ssyncadd.s32 @!p1 $0xFFFFD800;
	s25 =	simm.s32 @!p1 $0x4800  }
0x47: {  	[tilespmem:s25], [sflag:$0x2] =	stream.indirect.gather @!p1 [hbm4b:s4+s21], $0x80, s24, s21, $0xb8;
	[tilespmem:$0x1B080] =	vst v63  }
0x48: {  	s31 =	simm.s32 $0x1;
	s23 =	simm.s32 @p1 $0x3;
	s24 =	simm.s32 @!p1 $0x2000  }
0x49: {  	[spmem:s1] =	stream.indirect.scatter.add.f32 @!p1 [tilespmem:s24], [sflag:$0x4], $0x80, s22, s21, $0xb8;
	[tilespmem:$0x1B080] =	vst v63  }
0x4a: {  	s25 =	sand.u32 $0x1, s31;
	s24 =	simm.s32 $0x2;
	_ =	swait.ge [sflag:s23], $0x2800  }
0x4b: {  	s21 =	simm.s32 $0x100;
	s22 =	simm.s32 $0x1080;
	[sflag:s23] =	ssyncset.done $0x0  }
.LBB2_7:
0x4c: {  	p2 =	seq.s32 s25, $0x1  }
0x4d: {  	[sflag:s23] =	ssyncadd.s32 $0xFFFFD800;
	s25 =	smov.u32 s24;
	s24 =	sadd.s32 $0x1, s24  }
0x4e: {  	p1 =	sne.s32 s24, $0x18;
	s26 =	simm.s32 @p2 $0x2;
	s23 =	simm.s32 @!p2 $0x4  }
0x4f: {  	_ =	swait.ge @p2 [sflag:s26], $0x2800  }
0x50: {  	[sflag:s26] =	ssyncset.done @p2 $0x0  }
0x51: {  	s28 =	simm.s32 @p2 $0x2000;
	[sflag:s26] =	ssyncadd.s32 @p2 $0xFFFFD800;
	s26 =	simm.s32 @p2 $0x50  }
0x52: {  	[tilespmem:s28], [sflag:$0x1] =	stream.indirect.gather @p2 [hbm4b:s4+s26], $0x80, s21, s26, $0xb8;
	[tilespmem:$0x1B080] =	vst v63  }
0x53: {  	s29 =	simm.s32 @!p2 $0x1;
	s28 =	simm.s32 @p2 $0x4800  }
0x54: {  	[spmem:s1] =	stream.indirect.scatter.add.f32 @p2 [tilespmem:s28], [sflag:$0x3], $0x80, s22, s26, $0xb8;
	[tilespmem:$0x1B080] =	vst v63  }
0x55: {  	_ =	swait.ge @!p2 [sflag:s29], $0x2800  }
0x56: {  	[sflag:s29] =	ssyncset.done @!p2 $0x0  }
0x57: {  	s26 =	simm.s32 @!p2 $0x50;
	s28 =	simm.s32 @!p2 $0x4800;
	[sflag:s29] =	ssyncadd.s32 @!p2 $0xFFFFD800  }
0x58: {  	[tilespmem:s28], [sflag:$0x2] =	stream.indirect.gather @!p2 [hbm4b:s4+s26], $0x80, s21, s26, $0xb8;
	[tilespmem:$0x1B080] =	vst v63  }
.Ltmp2:
0x59: {  	_ = 	snop;
	(pc) =	sbr.rel @p1 .LBB2_7-.Ltmp2, $4  }
0x5a: {  	s23 =	simm.s32 @p2 $0x3;
	s28 =	simm.s32 @!p2 $0x2000  }
0x5b: {  	[spmem:s1] =	stream.indirect.scatter.add.f32 @!p2 [tilespmem:s28], [sflag:$0x4], $0x80, s22, s26, $0xb8;
	[tilespmem:$0x1B080] =	vst v63  }
0x5c: {  	s21 =	sadd.s32 $0x80, s21;
	_ =	swait.ge [sflag:s23], $0x2800  }
0x5d: {  	s25 =	sand.u32 $0x1, s25;
	s22 =	sadd.s32 $0x80, s22;
	[sflag:s23] =	ssyncset.done $0x0  }
0x5e: {  	p1 =	seq.s32 s25, $0x1  }
0x5f: {  	[sflag:s23] =	ssyncadd.s32 $0xFFFFD800;
	s23 =	simm.s32 @p1 $0x2  }
0x60: {  	_ =	swait.ge @p1 [sflag:s23], $0x2800  }
0x61: {  	[sflag:s23] =	ssyncset.done @p1 $0x0  }
0x62: {  	s24 =	simm.s32 @p1 $0x2000;
	[sflag:s23] =	ssyncadd.s32 @p1 $0xFFFFD800;
	s23 =	simm.s32 @p1 $0x50  }
0x63: {  	[tilespmem:s24], [sflag:$0x1] =	stream.indirect.gather @p1 [hbm4b:s4+s23], $0x80, s21, s23, $0xb8;
	[tilespmem:$0x1B080] =	vst v63  }
0x64: {  	s25 =	simm.s32 @!p1 $0x1;
	s24 =	simm.s32 @p1 $0x4800  }
0x65: {  	[spmem:s1] =	stream.indirect.scatter.add.f32 @p1 [tilespmem:s24], [sflag:$0x3], $0x80, s22, s23, $0xb8;
	[tilespmem:$0x1B080] =	vst v63  }
0x66: {  	_ =	swait.ge @!p1 [sflag:s25], $0x2800  }
0x67: {  	s23 =	simm.s32 @!p1 $0x4;
	[sflag:s25] =	ssyncset.done @!p1 $0x0  }
0x68: {  	s24 =	simm.s32 @!p1 $0x50;
	[sflag:s25] =	ssyncadd.s32 @!p1 $0xFFFFD800;
	s25 =	simm.s32 @!p1 $0x4800  }
0x69: {  	[tilespmem:s25], [sflag:$0x2] =	stream.indirect.gather @!p1 [hbm4b:s4+s24], $0x80, s21, s24, $0xb8;
	[tilespmem:$0x1B080] =	vst v63  }
0x6a: {  	s23 =	simm.s32 @p1 $0x3;
	s21 =	simm.s32 @!p1 $0x2000  }
0x6b: {  	[spmem:s1] =	stream.indirect.scatter.add.f32 @!p1 [tilespmem:s21], [sflag:$0x4], $0x80, s22, s24, $0xb8;
	[tilespmem:$0x1B080] =	vst v63  }
0x6c: {  	_ =	swait.ge [sflag:s23], $0x2800  }
0x6d: {  	[sflag:s23] =	ssyncset.done $0x0  }
0x6e: {  	[sflag:s23] =	ssyncadd.s32 $0xFFFFD800  }
0x6f: {  	s20 =	sadd.s32 $0x1, s20;
	_ =	swait.ge [sflag:s15], $0x2800  }
0x70: {  	p1 =	sne.s32 s20, $0x5;
	[sflag:s15] =	ssyncset.done $0x0  }
.Ltmp3:
0x71: {  	[sflag:s15] =	ssyncadd.s32 $0xFFFFD800;
	(pc) =	sbr.rel @p1 .LBB2_6-.Ltmp3, $4  }
0x72: {  	[spmem:s1] =	stream.indirect.scatter.add.f32 [tilespmem:s13], [sflag:$0x4], $0x80, s16, s11, $0xb8;
	[tilespmem:$0x1B080] =	vst v63  }
0x73: {  	_ =	swait.ge [sflag:s17], $0x2800  }
0x74: {  	[sflag:s17] =	ssyncset.done $0x0  }
0x75: {  	[sflag:s17] =	ssyncadd.s32 $0xFFFFD800  }
0x76: {  	s19 =	sadd.s32 $0x0, s7  }
0x77: {  	[bflag:$0x0] =	sbarrier.arrive $0xFFFF;
	v2 =	vor.u32 s19, v1;
	s20 =	sadd.s32 $0x10, s19  }
0x78: {  	s21 =	sadd.s32 $0x40, s19;
	[tilespmem:$0x7000] =	vst v2;
	v2 =	vor.u32 s20, v1  }
0x79: {  	s31 =	sadd.s32 $0x30, s19;
	v3 =	vor.u32 s21, v1;
	[tilespmem:$0x7010] =	vst v2  }
0x7a: {  	s19 =	sadd.s32 $0x20, s19;
	v2 =	vor.u32 s31, v1;
	[tilespmem:$0x7040] =	vst v3  }
0x7b: {  	[tilespmem:$0x7030] =	vst v2;
	v2 =	vor.u32 s19, v1  }
0x7c: {  	[tilespmem:$0x7020] =	vst v2  }
0x7d: {  	[tilespmem:s13], [sflag:$0x4] =	stream.indirect.gather [spmem:s1], $0x80, s12, s11, $0xb8;
	[tilespmem:$0x1B080] =	vst v63  }
0x7e: {  	s22 =	smov.u32 s10;
	_ =	swait.ge [sflag:s17], $0x2800  }
0x7f: {  	s20 =	simm.s32 $0x50;
	s19 =	simm.s32 $0x4;
	[sflag:s17] =	ssyncset.done $0x0  }
0x80: {  	s21 =	sadd.s32 $0x500, s10;
	s19 =	simm.s32 @!p0 $0x3;
	[sflag:s17] =	ssyncadd.s32 $0xFFFFD800  }
.LBB2_10:
0x81: {  	[hbm4b:s22+s2] =	stream.linear.scatter [tilespmem:s13], [sflag:s19], $0x2800, $0x38;
	[tilespmem:$0x1B080] =	vst v63  }
0x82: {  	s23 =	smov.u32 s20;
	s22 =	smov.u32 s21  }
0x83: {  	p1 =	sne.s32 s20, $0x230;
	s20 =	sadd.s32 $0x50, s20;
	_ =	swait.ge [sflag:s19], $0x2800  }
0x84: {  	s23 =	sadd.s32 s23, s7;
	[sflag:s19] =	ssyncset.done $0x0  }
0x85: {  	v2 =	vor.u32 s23, v1;
	s24 =	sadd.s32 $0x10, s23;
	s25 =	sadd.s32 $0x20, s23;
	[sflag:s19] =	ssyncadd.s32 $0xFFFFD800  }
0x86: {  	v3 =	vor.u32 s25, v1;
	[tilespmem:$0x7000] =	vst v2;
	v2 =	vor.u32 s24, v1;
	s24 =	sadd.s32 $0x30, s23;
	s23 =	sadd.s32 $0x40, s23  }
0x87: {  	[tilespmem:$0x7010] =	vst v2;
	v2 =	vor.u32 s24, v1;
	v4 =	vor.u32 s23, v1  }
0x88: {  	[tilespmem:$0x7030] =	vst v2  }
0x89: {  	[tilespmem:$0x7040] =	vst v4  }
.Ltmp4:
0x8a: {  	[tilespmem:$0x7020] =	vst v3;
	(pc) =	sbr.rel @p1 .LBB2_10-.Ltmp4, $4  }
0x8b: {  	[tilespmem:s13], [sflag:$0x4] =	stream.indirect.gather [spmem:s1], $0x80, s12, s11, $0xb8;
	[tilespmem:$0x1B080] =	vst v63  }
0x8c: {  	_ =	swait.ge [sflag:s17], $0x2800  }
0x8d: {  	[sflag:s17] =	ssyncset.done $0x0  }
0x8e: {  	s21 =	sadd.s32 $0x500, s21;
	[sflag:s17] =	ssyncadd.s32 $0xFFFFD800  }
0x8f: {  	s18 =	sadd.s32 $0x1, s18  }
0x90: {  	p1 =	sne.s32 s18, s9  }
.Ltmp5:
0x91: {  	_ = 	snop;
	(pc) =	sbr.rel @p1 .LBB2_1-.Ltmp5, $4  }
0x92: {  	[hbm4b:s22+s2] =	stream.linear.scatter [tilespmem:s13], [sflag:s19], $0x2800, $0x38;
	[tilespmem:$0x1B080] =	vst v63  }
0x93: {  	_ =	swait.ge [sflag:s19], $0x2800  }
0x94: {  	[sflag:s19] =	ssyncset.done $0x0  }
0x95: {  	[sflag:s19] =	ssyncadd.s32 $0xFFFFD800  }
0x96: {  	_ =	sfence.sel $0x180000  }
0x97: {  	[bflag:$0x0] =	sbarrier.arrive $0xFFFF  }
0x98: {  	p0 =	sne.s32 s3, $0x0;
	_ =	strace $0x90000047  }
0x99: {  	s0 =	sadd.s32 @!p0 $0x100000, s0;
	[bflag:$0x2] =	sbarrier.arrive $0xFFFF  }
0x9a: {  	[sflag:s0] =	ssyncadd.tile.s32 @!p0 $0x1;
	_ =	shalt  }
.Lfunc_end2:
_tile_overlayer_lowered:
.L_overlay_start_2:
0x9b: {  	(tag) =	ssettag $0x2  }
0x9c: {  	s0 =	rddreg [dreg:$0x0];
	s2 =	stileid.u32  }
0x9d: {  	s1 =	rddreg [dreg:$0x1];
	p0 =	sne.s32 s2, $0x0  }
0x9e: {  	s3 =	rddreg [dreg:$0x2];
	[bflag:$0x3] =	sbarrier.arrive $0xFFFF;
	s2 =	simm.s32 @!p0 $0x1C03  }
0x9f: {  	[timem:s3], [sflag:s2] =	dma.local @!p0 [hbm:s0], s1  }
0xa0: {  	s0 =	simm.s32 @!p0 $0x3  }
0xa1: {  	_ =	swait.ge @!p0 [sflag:s0], s1  }
0xa2: {  	s1 =	ssub.s32 @!p0 $0x0, s1;
	[sflag:s0] =	ssyncset.done @!p0 $0x0  }
0xa3: {  	[sflag:s0] =	ssyncadd.s32 @!p0 s1  }
0xa4: {  	[bflag:$0x3] =	sbarrier.arrive $0xFFFF  }
0xa5: {  	_ =	shalt  }

// kernel: kernel.7.cloned.1.call-start
scs
__scs_entry_jumppad:
0x0: {  	(pc) =	sbr.rel $0x88, $3  }
0x1: {  	(tag) =	ssettag $0x0;
	lr =	simm.s32 $0x1  }
0x2: {  	[smem:$0x3F95] =	sst lr;
	_ =	strace $0xD0000000  }
0x3: {  	_ = 	snop  }
0x4: {  	_ = 	snop  }
0x5: {  	_ = 	snop  }
0x6: {  	_ = 	snop  }
0x7: {  	_ = 	snop  }
__scs_overlays_trampoline_lowered:
0x8: {  	[smem:$0x3FA4] =	sst s0  }
0x9: {  	[smem:$0x3FA5] =	sst s1  }
0xa: {  	[smem:$0x3FA6] =	sst s2  }
0xb: {  	[smem:$0x3FA7] =	sst s3  }
0xc: {  	[smem:$0x3FA8] =	sst s4  }
0xd: {  	[smem:$0x3FA9] =	sst s5  }
0xe: {  	[smem:$0x3FAA] =	sst s6  }
0xf: {  	[smem:$0x3FAB] =	sst s7  }
0x10: {  	[smem:$0x3FAC] =	sst s8  }
0x11: {  	[smem:$0x3FAD] =	sst s9;
	s0 =	simm.s32 @!p0 $0x0  }
0x12: {  	s1 =	sld [smem:$0x3F93];
	s0 =	simm.s32 @p0 $0x1  }
0x13: {  	[smem:$0x3FAE] =	sst s0;
	s0 =	simm.s32 @!p1 $0x0  }
0x14: {  	s2 =	sld [smem:$0x3F92];
	s0 =	simm.s32 @p1 $0x1  }
0x15: {  	[smem:$0x3FAF] =	sst s0;
	s0 =	simm.s32 @!p2 $0x0  }
0x16: {  	s3 =	sld [smem:$0x3FDB];
	s0 =	simm.s32 @p2 $0x1  }
0x17: {  	s4 =	simm.s32 $0x1BF5;
	[smem:$0x3FB1] =	sst s0  }
0x18: {  	s0 =	sld [smem:$0x3F94];
	_ =	swait.ge [sflag:s4], $0x0  }
0x19: {  	s7 =	sld [smem:$0x3F95]  }
0x1a: {  	s8 =	sadd.s32 $0xFFFFE003, lr  }
0x1b: {  	s9 =	sadd.s32 $0xFFFFFEF7, lr;
	s5 =	simm.s32 $0xFFFFFFFF;
	p2 =	slt.u32 s8, $0xFFFFF086  }
0x1c: {  	p1 =	slt.u32 s9, $0xF7A;
	s5 =	simm.s32 @!p2 $0x0  }
0x1d: {  	s5 =	simm.s32 @p1 $0x1;
	p0 =	seq.s32 s7, s2  }
0x1e: {  	s7 =	smul.u32 @!p0 $0xF7A, s2;
	p2 =	seq.s32 @!p0 s5, $0x0  }
0x1f: {  	s9 =	smul.u32 $0xF7A, s1;
	s8 =	simm.s32 @!p0 $0x1BF5;
	p2 =	por !p2, p0  }
0x20: {  	[sflag:s8] =	ssyncset.s32 @!p0 $0xFFFFF086;
	s6 =	sadd.s32 @!p0 s3, s7;
	s7 =	simm.s32 @!p0 $0x108  }
0x21: {  	s3 =	sadd.s32 s3, s9;
	s6 =	sadd.s32 @!p0 $0x88, s6;
	s7 =	simm.s32 @p2 $0x1082  }
0x22: {  	[simem:s7], [sflag:s8] =	dma.local @!p0 [hbm:s6], $0xF7A  }
0x23: {  	s9 =	sor.u32 $0xD0000000, s2;
	s6 =	simm.s32 $0x108;
	_ =	swait.ge @!p0 [sflag:s8], $0x0  }
0x24: {  	s3 =	sadd.s32 $0x88, s3;
	s6 =	simm.s32 @!p1 $0x1082;
	[sflag:s4] =	ssyncset.s32 $0xFFFFF086  }
0x25: {  	[simem:s6], [sflag:s4] =	dma.local [hbm:s3], $0xF7A  }
0x26: {  	[smem:$0x3F95] =	sst s1;
	(tag) =	ssettag s2;
	_ =	strace s9  }
0x27: {  	s1 =	sld [smem:$0x3FA5]  }
0x28: {  	s2 =	sld [smem:$0x3FA6]  }
0x29: {  	s4 =	sld [smem:$0x3FA8]  }
0x2a: {  	p0 =	seq.s32 s5, $0x0;
	s5 =	sld [smem:$0x3FA9]  }
0x2b: {  	s6 =	sld [smem:$0x3FAA]  }
0x2c: {  	s7 =	sld [smem:$0x3FAB]  }
0x2d: {  	s3 =	simm.s32 $0x108;
	s8 =	sld [smem:$0x3FAC]  }
0x2e: {  	s3 =	simm.s32 @!p0 $0x1082;
	s9 =	sld [smem:$0x3FAD]  }
0x2f: {  	lr =	sadd.s32 s0, s3;
	s0 =	sld [smem:$0x3FA4]  }
0x30: {  	s3 =	sld [smem:$0x3FA7]  }
0x31: {  	[smem:$0x3FB0] =	sst s10  }
0x32: {  	s10 =	sld [smem:$0x3FAE];
	_ =	sdelay $0x3  }
0x33: {  	p0 =	seq.s32 s10, $0x1;
	s10 =	sld [smem:$0x3FB0];
	_ =	sdelay $0x3  }
0x34: {  	[smem:$0x3FB0] =	sst s10  }
0x35: {  	s10 =	sld [smem:$0x3FAF];
	_ =	sdelay $0x3  }
0x36: {  	p1 =	seq.s32 s10, $0x1;
	s10 =	sld [smem:$0x3FB0];
	_ =	sdelay $0x3  }
0x37: {  	[smem:$0x3FB0] =	sst s10  }
0x38: {  	s10 =	sld [smem:$0x3FB1]  }
0x39: {  	_ = 	snop;
	(pc) =	sbr.ind lr, $3  }
0x3a: {  	_ = 	snop  }
0x3b: {  	_ = 	snop  }
0x3c: {  	p2 =	seq.s32 s10, $0x1;
	s10 =	sld [smem:$0x3FB0]  }
0x3d: {  	_ =	shalt  }
0x3e: {  	_ =	shalt  }
0x3f: {  	_ =	shalt  }
0x40: {  	_ =	shalt  }
0x41: {  	_ =	shalt  }
0x42: {  	_ =	shalt  }
0x43: {  	_ =	shalt  }
0x44: {  	_ =	shalt  }
0x45: {  	_ =	shalt  }
0x46: {  	_ =	shalt  }
0x47: {  	_ =	shalt  }
0x48: {  	_ =	shalt  }
0x49: {  	_ =	shalt  }
0x4a: {  	_ =	shalt  }
0x4b: {  	_ =	shalt  }
0x4c: {  	_ =	shalt  }
0x4d: {  	_ =	shalt  }
0x4e: {  	_ =	shalt  }
0x4f: {  	_ =	shalt  }
0x50: {  	_ =	shalt  }
0x51: {  	_ =	shalt  }
0x52: {  	_ =	shalt  }
0x53: {  	_ =	shalt  }
0x54: {  	_ =	shalt  }
0x55: {  	_ =	shalt  }
0x56: {  	_ =	shalt  }
0x57: {  	_ =	shalt  }
0x58: {  	_ =	shalt  }
0x59: {  	_ =	shalt  }
0x5a: {  	_ =	shalt  }
0x5b: {  	_ =	shalt  }
0x5c: {  	_ =	shalt  }
0x5d: {  	_ =	shalt  }
0x5e: {  	_ =	shalt  }
0x5f: {  	_ =	shalt  }
0x60: {  	_ =	shalt  }
0x61: {  	_ =	shalt  }
0x62: {  	_ =	shalt  }
0x63: {  	_ =	shalt  }
0x64: {  	_ =	shalt  }
0x65: {  	_ =	shalt  }
0x66: {  	_ =	shalt  }
0x67: {  	_ =	shalt  }
0x68: {  	_ =	shalt  }
0x69: {  	_ =	shalt  }
0x6a: {  	_ =	shalt  }
0x6b: {  	_ =	shalt  }
0x6c: {  	_ =	shalt  }
0x6d: {  	_ =	shalt  }
0x6e: {  	_ =	shalt  }
0x6f: {  	_ =	shalt  }
0x70: {  	_ =	shalt  }
0x71: {  	_ =	shalt  }
0x72: {  	_ =	shalt  }
0x73: {  	_ =	shalt  }
0x74: {  	_ =	shalt  }
0x75: {  	_ =	shalt  }
0x76: {  	_ =	shalt  }
0x77: {  	_ =	shalt  }
0x78: {  	_ =	shalt  }
0x79: {  	_ =	shalt  }
0x7a: {  	_ =	shalt  }
0x7b: {  	_ =	shalt  }
0x7c: {  	_ =	shalt  }
0x7d: {  	_ =	shalt  }
0x7e: {  	_ =	shalt  }
0x7f: {  	_ =	shalt  }
0x80: {  	_ =	shalt  }
0x81: {  	_ =	shalt  }
0x82: {  	_ =	shalt  }
0x83: {  	_ =	shalt  }
0x84: {  	_ =	shalt  }
0x85: {  	_ =	shalt  }
0x86: {  	_ =	shalt  }
0x87: {  	_ =	shalt  }
.Lfunc_end0:
.L_simem_size_0:
called_computation_lowered:
.L_overlay_start_0:
0x88: {  	s2 =	sld [smem:$0x3FD9]  }
0x89: {  	s3 =	sld [smem:$0x3FFE];
	_ =	sdelay $0x1  }
0x8a: {  	s1 =	srdreg.scid  }
0x8b: {  	s0 =	sand.u32 $0x1, s1  }
0x8c: {  	s17 =	sshll.u32 s0, $0xA;
	s2 =	sadd.s32 s3, s2  }
0x8d: {  	s2 =	sadd.s32 s2, s17  }
0x8e: {  	[smem:$0x3FBC] =	sst s2  }
0x8f: {  	_ = 	snop  }
0x90: {  	(tm) =	ssettm $0x1  }
0x91: {  	s18 =	sld [smem:$0x3FFB];
	_ =	sdelay $0x3  }
0x92: {  	_ =	strace s18  }
0x93: {  	s2 =	sld [smem:$0x3FFC];
	_ =	sdelay $0x3  }
0x94: {  	_ =	strace s2  }
0x95: {  	s2 =	sld [smem:$0x3FFD];
	_ =	sdelay $0x3  }
0x96: {  	_ =	strace s2  }
0x97: {  	_ =	strace $0x8FFFFFFF  }
0x98: {  	s19 =	sld [smem:$0x3FDB];
	_ =	sdelay $0x1  }
0x99: {  	s20 =	simm.s32 $_scs_section_size  }
0x9a: {  	s4 =	simm.s32 $_size__tile_overlayer_lowered;
	s5 =	simm.s32 $_tile_overlayer_lowered  }
0x9b: {  	s6 =	simm.s32 $0x1BFF;
	s21 =	sshll.u32 s5, $0x1;
	s3 =	sadd.s32 s20, s19  }
0x9c: {  	s22 =	simm.s32 $0x0;
	s4 =	sshll.u32 s4, $0x1;
	s5 =	sadd.s32 s21, s3  }
0x9d: {  	[timem:s22], [sflag:s6] =	dma.local [hbm:s5], s4  }
0x9e: {  	_ =	swait.ge [sflag:s6], s4  }
0x9f: {  	s4 =	ssub.s32 $0x0, s4;
	[sflag:s6] =	ssyncset.done $0x0  }
0xa0: {  	[sflag:s6] =	ssyncadd.s32 s4;
	_ =	sdelay $0x1  }
0xa1: {  	s23 =	simm.s32 $0x1B8B  }
0xa2: {  	_ =	swait.ge [sflag:s23], $0x1  }
0xa3: {  	[sflag:s23] =	ssyncset.done $0x0  }
0xa4: {  	[sflag:s23] =	ssyncadd.s32 $0xFFFFFFFF  }
0xa5: {  	s4 =	sld [smem:$0x0]  }
0xa6: {  	s5 =	sand.u32 $0xFFFFFFFE, s1  }
0xa7: {  	p0 =	sne.s32 s1, s5  }
0xa8: {  	s5 =	sshll.u32 @p0 s5, $0xE  }
0xa9: {  	s5 =	sadd.s32 @p0 $0x11B8D, s5;
	s6 =	sshll.u32 @p0 s4, $0x11  }
0xaa: {  	s5 =	sor.u32 @p0 s6, s5  }
0xab: {  	[sflag:s5] =	ssyncadd.remote.s32 @p0 $0x1;
	_ =	sdelay $0x1  }
0xac: {  	s5 =	simm.s32 @p0 $0x1B8D  }
0xad: {  	_ =	swait.eq @p0 [sflag:s5], $0x1  }
0xae: {  	[sflag:s5] =	ssyncadd.s32 @p0 $0xFFFFFFFF  }
0xaf: {  	s6 =	sshll.u32 @!p0 s1, $0xE  }
0xb0: {  	s6 =	sor.u32 @!p0 $0x4000, s6;
	s5 =	simm.s32 @!p0 $0x1B8D  }
0xb1: {  	s4 =	sshll.u32 @!p0 s4, $0x11;
	s6 =	sadd.s32 @!p0 $0x11B8D, s6;
	_ =	swait.eq @!p0 [sflag:s5], $0x1  }
0xb2: {  	s4 =	sor.u32 @!p0 s4, s6;
	[sflag:s5] =	ssyncadd.s32 @!p0 $0xFFFFFFFF  }
0xb3: {  	s25 =	simm.s32 $0x1B8E;
	s24 =	sld [smem:$0x3FFE];
	[sflag:s4] =	ssyncadd.remote.s32 @!p0 $0x1  }
0xb4: {  	s26 =	simm.s32 $execute0_lowered;
	[smem:$0x3FD2] =	sst s25  }
0xb5: {  	s5 =	sshll.u32 s26, $0x1;
	_ =	strace $0x80000049;
	[dreg:$0x1] =	wrdreg $0xFFFFFFFF  }
0xb6: {  	s28 =	simm.s32 $_size_execute0_lowered;
	s3 =	sadd.s32 s3, s5;
	[dreg:$0x0] =	wrdreg $0x0  }
0xb7: {  	s5 =	sshll.u32 s28, $0x1;
	[dreg:$0x2] =	wrdreg s3  }
0xb8: {  	[dreg:$0x3] =	wrdreg s5  }
0xb9: {  	[dreg:$0x4] =	wrdreg $0xC0  }
0xba: {  	_ =	task [dreg:s22], $0x5FFFF  }
0xbb: {  	[dreg:$0x1] =	wrdreg $0xFFFFFFFF  }
0xbc: {  	[dreg:$0x0] =	wrdreg $0x60  }
0xbd: {  	[dreg:$0x2] =	wrdreg s24  }
0xbe: {  	[dreg:$0x3] =	wrdreg $0x4C800  }
0xbf: {  	[dreg:$0x4] =	wrdreg $0x9  }
0xc0: {  	_ =	task.clear_ibuf [dreg:s22], $0x5FFFF;
	_ =	strace $0x90000049  }
0xc1: {  	s29 =	simm.s32 $0x9;
	_ =	strace $0x8000004B  }
0xc2: {  	_ =	swait.ge [sflag:s29], $0x1  }
0xc3: {  	[sflag:s29] =	ssyncadd.s32 $0xFFFFFFFF  }
0xc4: {  	_ =	strace $0x9000004B  }
0xc5: {  	_ =	sfence  }
0xc6: {  	s30 =	sld [smem:$0x0];
	_ =	sdelay $0x2  }
0xc7: {  	s31 =	sshll.u32 s1, $0xD;
	s1 =	sshrl.u32 s1, $0x2  }
0xc8: {  	s4 =	sand.u32 $0x4000, s31;
	s1 =	sadd.s32 s1, s30  }
0xc9: {  	s0 =	sor.u32 s4, s0;
	s1 =	sshll.u32 s1, $0x11  }
0xca: {  	s0 =	sor.u32 s1, s0  }
0xcb: {  	s0 =	sadd.s32 $0x8F2B, s0  }
0xcc: {  	[sflag:s0] =	ssyncadd.remote.s32 $0x1  }
0xcd: {  	_ =	sfence.sel $0xFFFF  }
0xce: {  	[dreg:$0x0] =	wrdreg $0xFFFFFFFF;
	(pc) =	sbr.abs _section_cstart, $3  }
0xcf: {  	[dreg:$0x1] =	wrdreg $0xFFFFFFFF  }
0xd0: {  	_ =	task.clear_ibuf [dreg:s22], $0x2FFFF;
	_ =	strace $0x9FFFFFFF  }
0xd1: {  	(tm) =	ssettm $0x7FFFFFFF  }
tec
execute0_lowered:
.L_overlay_start_1:
0x0: {  	(tag) =	ssettag $0x1  }
0x1: {  	s0 =	srdreg.scid;
	s11 =	rddreg [dreg:$0x0]  }
0x2: {  	s2 =	rddreg [dreg:$0x1];
	s1 =	stileid.u32  }
0x3: {  	s12 =	simm.s32 $0x142200;
	s14 =	simm.s32 $0x1000;
	s15 =	simm.s32 $0x3  }
0x4: {  	s16 =	simm.s32 $0x28;
	s17 =	simm.s32 $0x3800;
	s18 =	simm.s32 $0x1  }
0x5: {  	s19 =	simm.s32 $0x4;
	s20 =	simm.s32 $0x4;
	s5 =	sand.u32 $0x1, s0  }
0x6: {  	s21 =	simm.s32 $0x0;
	s0 =	rddreg [dreg:$0x2];
	s3 =	sshll.u32 s5, $0x4  }
0x7: {  	s13 =	smul.u32 $0x2800, s1;
	s6 =	ssub.s32 $0x2, s5;
	s4 =	sor.u32 s1, s3  }
0x8: {  	p0 =	seq.s32 s5, $0x0;
	s3 =	simm.s32 $0x0;
	s4 =	smul.u32 $0xA00, s4  }
0x9: {  	s7 =	sshrl.u32 s6, $0x1;
	s12 =	simm.s32 @!p0 $0x16A200;
	[smem:$0x7FF] =	sst s3  }
0xa: {  	s19 =	simm.s32 @!p0 $0x3;
	_ =	strace $0x8000004A;
	s10 =	sadd.s32 s4, s11  }
0xb: {  	s4 =	smul.u32 $0x280, s1;
	s11 =	sadd.s32 s12, s11;
	s12 =	simm.s32 $0x50  }
0xc: {  	s6 =	ssub.s32 s6, s7;
	s5 =	sadd.s32 $0x12E200, s10;
	s7 =	sadd.s32 $0x12E400, s10  }
0xd: {  	s6 =	smax.u32 s6, $0x1;
	s8 =	sadd.s32 $0x12E600, s10;
	s9 =	sadd.s32 $0x12E800, s10  }
0xe: {  	v0 =	vimm.f32 $0.0e+00;
	v1 =	vimm.f32 $1.000000000e+00;
	v2 =	vlaneseq.u32;
	s10 =	sadd.s32 $0x12EA00, s10;
	s11 =	sadd.s32 s13, s11;
	s13 =	simm.s32 $0x4C00  }
.LBB2_1:
0xf: {  	s22 =	simm.s32 $0x0;
	s23 =	simm.s32 $0x200  }
.LBB2_2:
0x10: {  	p0 =	sne.s32 s23, $0x9E00;
	[tilespmem:s22+$0x1070] =	vst v0  }
0x11: {  	[tilespmem:s22+$0x1000] =	vst v0  }
0x12: {  	[tilespmem:s22+$0x1010] =	vst v0  }
.Ltmp0:
0x13: {  	[tilespmem:s22+$0x1020] =	vst v0;
	(pc) =	sbr.rel @p0 .LBB2_2-.Ltmp0, $4  }
0x14: {  	[tilespmem:s22+$0x1030] =	vst v0  }
0x15: {  	[tilespmem:s22+$0x1040] =	vst v0  }
0x16: {  	[tilespmem:s22+$0x1050] =	vst v0  }
0x17: {  	[tilespmem:s22+$0x1060] =	vst v0;
	s22 =	sshra.s32 s23, $0x2;
	s23 =	sadd.s32 $0x200, s23  }
0x18: {  	[tilespmem:s22+$0x1070] =	vst v0  }
0x19: {  	[tilespmem:s22+$0x1000] =	vst v0  }
0x1a: {  	[tilespmem:s22+$0x1010] =	vst v0  }
0x1b: {  	[tilespmem:s22+$0x1020] =	vst v0  }
0x1c: {  	[tilespmem:s22+$0x1030] =	vst v0  }
0x1d: {  	[tilespmem:s22+$0x1040] =	vst v0  }
0x1e: {  	[tilespmem:s22+$0x1050] =	vst v0  }
0x1f: {  	[tilespmem:s22+$0x1060] =	vst v0;
	s22 =	simm.s32 $0x0;
	s23 =	simm.s32 $0x200  }
.LBB2_4:
0x20: {  	p0 =	sne.s32 s23, $0x4E00;
	[tilespmem:s22+$0x3870] =	vst v1  }
0x21: {  	[tilespmem:s22+$0x3800] =	vst v1  }
0x22: {  	[tilespmem:s22+$0x3810] =	vst v1  }
.Ltmp1:
0x23: {  	[tilespmem:s22+$0x3820] =	vst v1;
	(pc) =	sbr.rel @p0 .LBB2_4-.Ltmp1, $4  }
0x24: {  	[tilespmem:s22+$0x3830] =	vst v1  }
0x25: {  	[tilespmem:s22+$0x3840] =	vst v1  }
0x26: {  	[tilespmem:s22+$0x3850] =	vst v1  }
0x27: {  	[tilespmem:s22+$0x3860] =	vst v1;
	s22 =	sshra.s32 s23, $0x2;
	s23 =	sadd.s32 $0x200, s23  }
0x28: {  	[tilespmem:s22+$0x3870] =	vst v1  }
0x29: {  	[tilespmem:s22+$0x3800] =	vst v1  }
0x2a: {  	[tilespmem:s22+$0x3810] =	vst v1  }
0x2b: {  	[tilespmem:s22+$0x3820] =	vst v1  }
0x2c: {  	[tilespmem:s22+$0x3830] =	vst v1  }
0x2d: {  	[tilespmem:s22+$0x3840] =	vst v1  }
0x2e: {  	[tilespmem:s22+$0x3850] =	vst v1;
	s23 =	sadd.s32 $0x0, s4  }
0x2f: {  	[tilespmem:s22+$0x3860] =	vst v1;
	v3 =	vor.u32 s23, v2;
	s30 =	sadd.s32 $0x40, s23  }
0x30: {  	s24 =	sadd.s32 $0x30, s23;
	[tilespmem:$0x4C00] =	vst v3;
	v3 =	vor.u32 s30, v2  }
0x31: {  	s31 =	sadd.s32 $0x20, s23;
	v4 =	vor.u32 s24, v2;
	[tilespmem:$0x4C40] =	vst v3  }
0x32: {  	s22 =	simm.s32 $0x50;
	s23 =	sadd.s32 $0x10, s23;
	v3 =	vor.u32 s31, v2;
	[tilespmem:$0x4C30] =	vst v4  }
.LBB2_6:
0x33: {  	p0 =	sne.s32 s22, $0x230;
	v4 =	vor.u32 s23, v2;
	[tilespmem:$0x4C20] =	vst v3  }
0x34: {  	[tilespmem:$0x4C10] =	vst v4;
	[spmem:s2] =	stream.indirect.scatter [tilespmem:s14], [sflag:$0x3], $0x80, s13, s12, $0xb8  }
0x35: {  	_ =	swait.ge [sflag:s15], $0x2800  }
.Ltmp2:
0x36: {  	s23 =	sadd.s32 s22, s4;
	[sflag:s15] =	ssyncset.done $0x0;
	(pc) =	sbr.rel @p0 .LBB2_6-.Ltmp2, $4  }
0x37: {  	v3 =	vor.u32 s23, v2;
	s24 =	sadd.s32 $0x40, s23;
	[sflag:s15] =	ssyncadd.s32 $0xFFFFD800  }
0x38: {  	s25 =	sadd.s32 $0x30, s23;
	[tilespmem:$0x4C00] =	vst v3;
	v3 =	vor.u32 s24, v2  }
0x39: {  	v4 =	vor.u32 s25, v2;
	s24 =	sadd.s32 $0x20, s23;
	[tilespmem:$0x4C40] =	vst v3  }
0x3a: {  	s22 =	sadd.s32 $0x50, s22;
	s23 =	sadd.s32 $0x10, s23;
	v3 =	vor.u32 s24, v2;
	[tilespmem:$0x4C30] =	vst v4  }
0x3b: {  	v4 =	vor.u32 s23, v2;
	[tilespmem:$0x4C20] =	vst v3  }
0x3c: {  	[tilespmem:$0x4C10] =	vst v4  }
0x3d: {  	[spmem:s2] =	stream.indirect.scatter [tilespmem:s14], [sflag:$0x3], $0x80, s13, s12, $0xb8;
	[tilespmem:$0x18C80] =	vst v63  }
0x3e: {  	_ =	swait.ge [sflag:s15], $0x2800  }
0x3f: {  	[sflag:s15] =	ssyncset.done $0x0  }
0x40: {  	[sflag:s15] =	ssyncadd.s32 $0xFFFFD800  }
0x41: {  	s22 =	simm.s32 $0x0;
	[bflag:$0x0] =	sbarrier.arrive $0xFFFF  }
0x42: {  	[tilespmem:s22], [sflag:$0x3] =	stream.linear.gather [hbm4b:s5+s22], $0xC80, $0x38;
	[tilespmem:$0x18C80] =	vst v63  }
0x43: {  	_ =	swait.ge [sflag:s15], $0xC80  }
0x44: {  	[sflag:s15] =	ssyncset.done $0x0  }
0x45: {  	[sflag:s15] =	ssyncadd.s32 $0xFFFFF380  }
0x46: {  	[spmem:s2] =	stream.indirect.scatter.add.f32 [tilespmem:s17], [sflag:$0x1], $0x80, s22, s16, $0xb8;
	[tilespmem:$0x18C80] =	vst v63  }
0x47: {  	s22 =	sand.u32 $0x1, s22  }
0x48: {  	s23 =	simm.s32 $0x1;
	s24 =	simm.s32 $0x2;
	p0 =	seq.s32 s22, $0x1  }
0x49: {  	s22 =	simm.s32 $0x80;
	s23 =	simm.s32 @!p0 $0x2;
	s24 =	simm.s32 @!p0 $0x1  }
0x4a: {  	[spmem:s2] =	stream.indirect.scatter.add.f32 [tilespmem:s17], [sflag:s23], $0x80, s22, s16, $0xb8;
	[tilespmem:$0x18C80] =	vst v63  }
0x4b: {  	s23 =	simm.s32 $0x1;
	_ =	swait.ge [sflag:s24], $0x1400  }
.LBB2_8:
0x4c: {  	s25 =	sand.u32 $0x1, s23  }
0x4d: {  	[sflag:s24] =	ssyncset.done $0x0;
	s22 =	sadd.s32 $0x80, s22;
	p1 =	sne.s32 s23, $0x17  }
0x4e: {  	p0 =	seq.s32 s25, $0x1;
	[sflag:s24] =	ssyncadd.s32 $0xFFFFEC00;
	s24 =	simm.s32 $0x1  }
.Ltmp3:
0x4f: {  	s23 =	sadd.s32 $0x1, s23;
	s24 =	simm.s32 @!p0 $0x2;
	(pc) =	sbr.rel @p1 .LBB2_8-.Ltmp3, $4  }
0x50: {  	[spmem:s2] =	stream.indirect.scatter.add.f32 [tilespmem:s17], [sflag:s24], $0x80, s22, s16, $0xb8;
	[tilespmem:$0x18C80] =	vst v63  }
0x51: {  	s24 =	simm.s32 $0x2  }
0x52: {  	s24 =	simm.s32 @!p0 $0x1  }
0x53: {  	_ =	swait.ge [sflag:s24], $0x1400  }
0x54: {  	[sflag:s24] =	ssyncset.done $0x0  }
0x55: {  	[sflag:s24] =	ssyncadd.s32 $0xFFFFEC00  }
0x56: {  	_ =	swait.ge [sflag:s18], $0x1400  }
0x57: {  	[sflag:s18] =	ssyncset.done $0x0  }
0x58: {  	s22 =	simm.s32 $0x0;
	[sflag:s18] =	ssyncadd.s32 $0xFFFFEC00  }
0x59: {  	[tilespmem:s22], [sflag:$0x3] =	stream.linear.gather [hbm4b:s7+s22], $0xC80, $0x38;
	[tilespmem:$0x18C80] =	vst v63  }
0x5a: {  	_ =	swait.ge [sflag:s15], $0xC80  }
0x5b: {  	[sflag:s15] =	ssyncset.done $0x0  }
0x5c: {  	[sflag:s15] =	ssyncadd.s32 $0xFFFFF380  }
0x5d: {  	[spmem:s2] =	stream.indirect.scatter.add.f32 [tilespmem:s17], [sflag:$0x1], $0x80, s22, s16, $0xb8;
	[tilespmem:$0x18C80] =	vst v63  }
0x5e: {  	s22 =	sand.u32 $0x1, s22  }
0x5f: {  	s23 =	simm.s32 $0x1;
	s24 =	simm.s32 $0x2;
	p0 =	seq.s32 s22, $0x1  }
0x60: {  	s22 =	simm.s32 $0x80;
	s23 =	simm.s32 @!p0 $0x2;
	s24 =	simm.s32 @!p0 $0x1  }
0x61: {  	[spmem:s2] =	stream.indirect.scatter.add.f32 [tilespmem:s17], [sflag:s23], $0x80, s22, s16, $0xb8;
	[tilespmem:$0x18C80] =	vst v63  }
0x62: {  	s23 =	simm.s32 $0x1;
	_ =	swait.ge [sflag:s24], $0x1400  }
.LBB2_10:
0x63: {  	s25 =	sand.u32 $0x1, s23  }
0x64: {  	[sflag:s24] =	ssyncset.done $0x0;
	s22 =	sadd.s32 $0x80, s22;
	p1 =	sne.s32 s23, $0x17  }
0x65: {  	p0 =	seq.s32 s25, $0x1;
	[sflag:s24] =	ssyncadd.s32 $0xFFFFEC00;
	s24 =	simm.s32 $0x1  }
.Ltmp4:
0x66: {  	s23 =	sadd.s32 $0x1, s23;
	s24 =	simm.s32 @!p0 $0x2;
	(pc) =	sbr.rel @p1 .LBB2_10-.Ltmp4, $4  }
0x67: {  	[spmem:s2] =	stream.indirect.scatter.add.f32 [tilespmem:s17], [sflag:s24], $0x80, s22, s16, $0xb8;
	[tilespmem:$0x18C80] =	vst v63  }
0x68: {  	s24 =	simm.s32 $0x2  }
0x69: {  	s24 =	simm.s32 @!p0 $0x1  }
0x6a: {  	_ =	swait.ge [sflag:s24], $0x1400  }
0x6b: {  	[sflag:s24] =	ssyncset.done $0x0  }
0x6c: {  	[sflag:s24] =	ssyncadd.s32 $0xFFFFEC00  }
0x6d: {  	_ =	swait.ge [sflag:s18], $0x1400  }
0x6e: {  	[sflag:s18] =	ssyncset.done $0x0  }
0x6f: {  	s22 =	simm.s32 $0x0;
	[sflag:s18] =	ssyncadd.s32 $0xFFFFEC00  }
0x70: {  	[tilespmem:s22], [sflag:$0x3] =	stream.linear.gather [hbm4b:s8+s22], $0xC80, $0x38;
	[tilespmem:$0x18C80] =	vst v63  }
0x71: {  	_ =	swait.ge [sflag:s15], $0xC80  }
0x72: {  	[sflag:s15] =	ssyncset.done $0x0  }
0x73: {  	[sflag:s15] =	ssyncadd.s32 $0xFFFFF380  }
0x74: {  	[spmem:s2] =	stream.indirect.scatter.add.f32 [tilespmem:s17], [sflag:$0x1], $0x80, s22, s16, $0xb8;
	[tilespmem:$0x18C80] =	vst v63  }
0x75: {  	s22 =	sand.u32 $0x1, s22  }
0x76: {  	s23 =	simm.s32 $0x1;
	s24 =	simm.s32 $0x2;
	p0 =	seq.s32 s22, $0x1  }
0x77: {  	s22 =	simm.s32 $0x80;
	s23 =	simm.s32 @!p0 $0x2;
	s24 =	simm.s32 @!p0 $0x1  }
0x78: {  	[spmem:s2] =	stream.indirect.scatter.add.f32 [tilespmem:s17], [sflag:s23], $0x80, s22, s16, $0xb8;
	[tilespmem:$0x18C80] =	vst v63  }
0x79: {  	s23 =	simm.s32 $0x1;
	_ =	swait.ge [sflag:s24], $0x1400  }
.LBB2_12:
0x7a: {  	s25 =	sand.u32 $0x1, s23  }
0x7b: {  	[sflag:s24] =	ssyncset.done $0x0;
	s22 =	sadd.s32 $0x80, s22;
	p1 =	sne.s32 s23, $0x17  }
0x7c: {  	p0 =	seq.s32 s25, $0x1;
	[sflag:s24] =	ssyncadd.s32 $0xFFFFEC00;
	s24 =	simm.s32 $0x1  }
.Ltmp5:
0x7d: {  	s23 =	sadd.s32 $0x1, s23;
	s24 =	simm.s32 @!p0 $0x2;
	(pc) =	sbr.rel @p1 .LBB2_12-.Ltmp5, $4  }
0x7e: {  	[spmem:s2] =	stream.indirect.scatter.add.f32 [tilespmem:s17], [sflag:s24], $0x80, s22, s16, $0xb8;
	[tilespmem:$0x18C80] =	vst v63  }
0x7f: {  	s24 =	simm.s32 $0x2  }
0x80: {  	s24 =	simm.s32 @!p0 $0x1  }
0x81: {  	_ =	swait.ge [sflag:s24], $0x1400  }
0x82: {  	[sflag:s24] =	ssyncset.done $0x0  }
0x83: {  	[sflag:s24] =	ssyncadd.s32 $0xFFFFEC00  }
0x84: {  	_ =	swait.ge [sflag:s18], $0x1400  }
0x85: {  	[sflag:s18] =	ssyncset.done $0x0  }
0x86: {  	s22 =	simm.s32 $0x0;
	[sflag:s18] =	ssyncadd.s32 $0xFFFFEC00  }
0x87: {  	[tilespmem:s22], [sflag:$0x3] =	stream.linear.gather [hbm4b:s9+s22], $0xC80, $0x38;
	[tilespmem:$0x18C80] =	vst v63  }
0x88: {  	_ =	swait.ge [sflag:s15], $0xC80  }
0x89: {  	[sflag:s15] =	ssyncset.done $0x0  }
0x8a: {  	[sflag:s15] =	ssyncadd.s32 $0xFFFFF380  }
0x8b: {  	[spmem:s2] =	stream.indirect.scatter.add.f32 [tilespmem:s17], [sflag:$0x1], $0x80, s22, s16, $0xb8;
	[tilespmem:$0x18C80] =	vst v63  }
0x8c: {  	s22 =	sand.u32 $0x1, s22  }
0x8d: {  	s23 =	simm.s32 $0x1;
	s24 =	simm.s32 $0x2;
	p0 =	seq.s32 s22, $0x1  }
0x8e: {  	s22 =	simm.s32 $0x80;
	s23 =	simm.s32 @!p0 $0x2;
	s24 =	simm.s32 @!p0 $0x1  }
0x8f: {  	[spmem:s2] =	stream.indirect.scatter.add.f32 [tilespmem:s17], [sflag:s23], $0x80, s22, s16, $0xb8;
	[tilespmem:$0x18C80] =	vst v63  }
0x90: {  	s23 =	simm.s32 $0x1;
	_ =	swait.ge [sflag:s24], $0x1400  }
.LBB2_14:
0x91: {  	s25 =	sand.u32 $0x1, s23  }
0x92: {  	[sflag:s24] =	ssyncset.done $0x0;
	s22 =	sadd.s32 $0x80, s22;
	p1 =	sne.s32 s23, $0x17  }
0x93: {  	p0 =	seq.s32 s25, $0x1;
	[sflag:s24] =	ssyncadd.s32 $0xFFFFEC00;
	s24 =	simm.s32 $0x1  }
.Ltmp6:
0x94: {  	s23 =	sadd.s32 $0x1, s23;
	s24 =	simm.s32 @!p0 $0x2;
	(pc) =	sbr.rel @p1 .LBB2_14-.Ltmp6, $4  }
0x95: {  	[spmem:s2] =	stream.indirect.scatter.add.f32 [tilespmem:s17], [sflag:s24], $0x80, s22, s16, $0xb8;
	[tilespmem:$0x18C80] =	vst v63  }
0x96: {  	s24 =	simm.s32 $0x2  }
0x97: {  	s24 =	simm.s32 @!p0 $0x1  }
0x98: {  	_ =	swait.ge [sflag:s24], $0x1400  }
0x99: {  	[sflag:s24] =	ssyncset.done $0x0  }
0x9a: {  	[sflag:s24] =	ssyncadd.s32 $0xFFFFEC00  }
0x9b: {  	_ =	swait.ge [sflag:s18], $0x1400  }
0x9c: {  	[sflag:s18] =	ssyncset.done $0x0  }
0x9d: {  	s22 =	simm.s32 $0x0;
	[sflag:s18] =	ssyncadd.s32 $0xFFFFEC00  }
0x9e: {  	[tilespmem:s22], [sflag:$0x3] =	stream.linear.gather [hbm4b:s10+s22], $0xC80, $0x38;
	[tilespmem:$0x18C80] =	vst v63  }
0x9f: {  	_ =	swait.ge [sflag:s15], $0xC80  }
0xa0: {  	[sflag:s15] =	ssyncset.done $0x0  }
0xa1: {  	[sflag:s15] =	ssyncadd.s32 $0xFFFFF380  }
0xa2: {  	[spmem:s2] =	stream.indirect.scatter.add.f32 [tilespmem:s17], [sflag:$0x1], $0x80, s22, s16, $0xb8;
	[tilespmem:$0x18C80] =	vst v63  }
0xa3: {  	s22 =	sand.u32 $0x1, s22  }
0xa4: {  	s23 =	simm.s32 $0x1;
	s24 =	simm.s32 $0x2;
	p0 =	seq.s32 s22, $0x1  }
0xa5: {  	s22 =	simm.s32 $0x80;
	s23 =	simm.s32 @!p0 $0x2;
	s24 =	simm.s32 @!p0 $0x1  }
0xa6: {  	[spmem:s2] =	stream.indirect.scatter.add.f32 [tilespmem:s17], [sflag:s23], $0x80, s22, s16, $0xb8;
	[tilespmem:$0x18C80] =	vst v63  }
0xa7: {  	s23 =	simm.s32 $0x1;
	_ =	swait.ge [sflag:s24], $0x1400  }
.LBB2_16:
0xa8: {  	s25 =	sand.u32 $0x1, s23  }
0xa9: {  	[sflag:s24] =	ssyncset.done $0x0;
	s22 =	sadd.s32 $0x80, s22;
	p1 =	sne.s32 s23, $0x17  }
0xaa: {  	p0 =	seq.s32 s25, $0x1;
	[sflag:s24] =	ssyncadd.s32 $0xFFFFEC00;
	s24 =	simm.s32 $0x1  }
.Ltmp7:
0xab: {  	s23 =	sadd.s32 $0x1, s23;
	s24 =	simm.s32 @!p0 $0x2;
	(pc) =	sbr.rel @p1 .LBB2_16-.Ltmp7, $4  }
0xac: {  	[spmem:s2] =	stream.indirect.scatter.add.f32 [tilespmem:s17], [sflag:s24], $0x80, s22, s16, $0xb8;
	[tilespmem:$0x18C80] =	vst v63  }
0xad: {  	s24 =	simm.s32 $0x2  }
0xae: {  	s24 =	simm.s32 @!p0 $0x1  }
0xaf: {  	_ =	swait.ge [sflag:s24], $0x1400  }
0xb0: {  	[sflag:s24] =	ssyncset.done $0x0  }
0xb1: {  	[sflag:s24] =	ssyncadd.s32 $0xFFFFEC00  }
0xb2: {  	_ =	swait.ge [sflag:s18], $0x1400  }
0xb3: {  	[sflag:s18] =	ssyncset.done $0x0  }
0xb4: {  	s22 =	sadd.s32 $0x0, s4;
	[sflag:s18] =	ssyncadd.s32 $0xFFFFEC00  }
0xb5: {  	v3 =	vor.u32 s22, v2;
	s31 =	sadd.s32 $0x40, s22;
	[bflag:$0x0] =	sbarrier.arrive $0xFFFF  }
0xb6: {  	s23 =	sadd.s32 $0x10, s22;
	v4 =	vor.u32 s31, v2;
	[tilespmem:$0x4C00] =	vst v3  }
0xb7: {  	s30 =	sadd.s32 $0x30, s22;
	v3 =	vor.u32 s23, v2;
	[tilespmem:$0x4C40] =	vst v4  }
0xb8: {  	s22 =	sadd.s32 $0x20, s22;
	[tilespmem:$0x4C10] =	vst v3;
	v3 =	vor.u32 s30, v2  }
0xb9: {  	[tilespmem:$0x4C30] =	vst v3;
	v3 =	vor.u32 s22, v2  }
0xba: {  	[tilespmem:$0x4C20] =	vst v3  }
0xbb: {  	[tilespmem:s14], [sflag:$0x4] =	stream.indirect.gather [spmem:s2], $0x80, s13, s12, $0xb8;
	[tilespmem:$0x18C80] =	vst v63  }
0xbc: {  	_ =	swait.ge [sflag:s20], $0x2800  }
0xbd: {  	s24 =	smov.u32 s11;
	[sflag:s20] =	ssyncset.done $0x0  }
0xbe: {  	s23 =	sadd.s32 $0x500, s11;
	s22 =	simm.s32 $0x50;
	[sflag:s20] =	ssyncadd.s32 $0xFFFFD800  }
.LBB2_18:
0xbf: {  	[hbm4b:s24+s3] =	stream.linear.scatter [tilespmem:s14], [sflag:s19], $0x2800, $0x38;
	[tilespmem:$0x18C80] =	vst v63  }
0xc0: {  	s25 =	smov.u32 s22;
	s24 =	smov.u32 s23  }
0xc1: {  	p0 =	sne.s32 s22, $0x230;
	s22 =	sadd.s32 $0x50, s22;
	_ =	swait.ge [sflag:s19], $0x2800  }
0xc2: {  	s25 =	sadd.s32 s25, s4;
	[sflag:s19] =	ssyncset.done $0x0  }
0xc3: {  	v3 =	vor.u32 s25, v2;
	s26 =	sadd.s32 $0x10, s25;
	s28 =	sadd.s32 $0x20, s25;
	[sflag:s19] =	ssyncadd.s32 $0xFFFFD800  }
0xc4: {  	v4 =	vor.u32 s28, v2;
	[tilespmem:$0x4C00] =	vst v3;
	v3 =	vor.u32 s26, v2;
	s26 =	sadd.s32 $0x30, s25;
	s25 =	sadd.s32 $0x40, s25  }
0xc5: {  	[tilespmem:$0x4C10] =	vst v3;
	v3 =	vor.u32 s26, v2;
	v5 =	vor.u32 s25, v2  }
0xc6: {  	[tilespmem:$0x4C30] =	vst v3  }
0xc7: {  	[tilespmem:$0x4C40] =	vst v5  }
.Ltmp8:
0xc8: {  	[tilespmem:$0x4C20] =	vst v4;
	(pc) =	sbr.rel @p0 .LBB2_18-.Ltmp8, $4  }
0xc9: {  	[tilespmem:s14], [sflag:$0x4] =	stream.indirect.gather [spmem:s2], $0x80, s13, s12, $0xb8;
	[tilespmem:$0x18C80] =	vst v63  }
0xca: {  	_ =	swait.ge [sflag:s20], $0x2800  }
0xcb: {  	[sflag:s20] =	ssyncset.done $0x0  }
0xcc: {  	s23 =	sadd.s32 $0x500, s23;
	[sflag:s20] =	ssyncadd.s32 $0xFFFFD800  }
0xcd: {  	s21 =	sadd.s32 $0x1, s21  }
0xce: {  	p0 =	sne.s32 s21, s6  }
.Ltmp9:
0xcf: {  	_ = 	snop;
	(pc) =	sbr.rel @p0 .LBB2_1-.Ltmp9, $4  }
0xd0: {  	[hbm4b:s24+s3] =	stream.linear.scatter [tilespmem:s14], [sflag:s19], $0x2800, $0x38;
	[tilespmem:$0x18C80] =	vst v63  }
0xd1: {  	_ =	swait.ge [sflag:s19], $0x2800  }
0xd2: {  	[sflag:s19] =	ssyncset.done $0x0  }
0xd3: {  	[sflag:s19] =	ssyncadd.s32 $0xFFFFD800  }
0xd4: {  	_ =	sfence.sel $0x180000  }
0xd5: {  	[bflag:$0x0] =	sbarrier.arrive $0xFFFF  }
0xd6: {  	p0 =	sne.s32 s1, $0x0;
	_ =	strace $0x9000004A  }
0xd7: {  	s0 =	sadd.s32 @!p0 $0x100000, s0;
	[bflag:$0x2] =	sbarrier.arrive $0xFFFF  }
0xd8: {  	[sflag:s0] =	ssyncadd.tile.s32 @!p0 $0x1;
	_ =	shalt  }
.Lfunc_end2:
_tile_overlayer_lowered:
.L_overlay_start_2:
0xd9: {  	(tag) =	ssettag $0x2  }
0xda: {  	s0 =	rddreg [dreg:$0x0];
	s2 =	stileid.u32  }
0xdb: {  	s1 =	rddreg [dreg:$0x1];
	p0 =	sne.s32 s2, $0x0  }
0xdc: {  	s3 =	rddreg [dreg:$0x2];
	[bflag:$0x3] =	sbarrier.arrive $0xFFFF;
	s2 =	simm.s32 @!p0 $0x1C03  }
0xdd: {  	[timem:s3], [sflag:s2] =	dma.local @!p0 [hbm:s0], s1  }
0xde: {  	s0 =	simm.s32 @!p0 $0x3  }
0xdf: {  	_ =	swait.ge @!p0 [sflag:s0], s1  }
0xe0: {  	s1 =	ssub.s32 @!p0 $0x0, s1;
	[sflag:s0] =	ssyncset.done @!p0 $0x0  }
0xe1: {  	[sflag:s0] =	ssyncadd.s32 @!p0 s1  }
0xe2: {  	[bflag:$0x3] =	sbarrier.arrive $0xFFFF  }
0xe3: {  	_ =	shalt  }

</sc_bundles>
